<compile_context>
chip_gen: v7x
topology: tpu7x:2x2x1
jax: 0.10.2.dev20260603
libtpu: 0.0.44.dev20260713+nightly
codegen_flags: <defaults>
</compile_context>

<pallas_src>
import functools

import jax
import jax.numpy as jnp
from jax import lax
from jax.experimental import pallas as pl
from jax.experimental.pallas import tpu as pltpu
from jax.experimental.pallas import tpu_sc as plsc

N = 10000
D = 128
C = 64
E = 320000

NC = 2
NS = 16
NW = NC * NS
EPT = E // NW
CHUNK = 128
NFULL = EPT // CHUNK
TAIL = EPT - NFULL * CHUNK
RPT = 632
RA = RPT * NS

_mesh = plsc.VectorSubcoreMesh(core_axis_name="c", subcore_axis_name="s")


@functools.partial(
    pl.kernel,
    out_type=jax.ShapeDtypeStruct((NC, RA, 16), jnp.float32),
    mesh=_mesh,
    scratch_types=[
        pltpu.VMEM((CHUNK,), jnp.int32),
        pltpu.VMEM((TAIL,), jnp.int32),
        pltpu.VMEM((CHUNK, 16), jnp.float32),
        pltpu.VMEM_SHARED((RA, 16), jnp.float32),
    ],
)
def _sc_degree(dst_hbm, ones_hbm, zeros_hbm, out_hbm, idx_v, idxt_v, ones_v, acc):
    c = lax.axis_index("c")
    s = lax.axis_index("s")
    wid = c * NS + s
    pltpu.sync_copy(zeros_hbm, acc.at[pl.ds(s * RPT, RPT)])
    pltpu.sync_copy(ones_hbm, ones_v)
    plsc.subcore_barrier()

    base = wid * EPT

    def body(i, carry):
        off = base + i * CHUNK
        pltpu.sync_copy(dst_hbm.at[pl.ds(off, CHUNK)], idx_v)
        pltpu.sync_copy(ones_v, acc.at[idx_v], add=True)
        return carry

    lax.fori_loop(0, NFULL, body, 0)
    pltpu.sync_copy(dst_hbm.at[pl.ds(base + NFULL * CHUNK, TAIL)], idxt_v)
    pltpu.sync_copy(ones_v.at[pl.ds(0, TAIL)], acc.at[idxt_v], add=True)

    plsc.subcore_barrier()
    pltpu.sync_copy(
        acc.at[pl.ds(s * RPT, RPT)],
        out_hbm.at[c, pl.ds(s * RPT, RPT)],
    )


@functools.partial(
    pl.kernel,
    out_type=jax.ShapeDtypeStruct((NC, RA, D), jnp.float32),
    mesh=_mesh,
    scratch_types=[
        pltpu.VMEM((CHUNK,), jnp.int32),
        pltpu.VMEM((CHUNK,), jnp.int32),
        pltpu.VMEM((CHUNK,), jnp.int32),
        pltpu.VMEM((CHUNK,), jnp.int32),
        pltpu.VMEM((TAIL,), jnp.int32),
        pltpu.VMEM((TAIL,), jnp.int32),
        pltpu.VMEM((CHUNK, D), jnp.float32),
        pltpu.VMEM((CHUNK, D), jnp.float32),
        pltpu.VMEM((TAIL, D), jnp.float32),
        pltpu.VMEM_SHARED((RA, D), jnp.float32),
        pltpu.SemaphoreType.DMA,
        pltpu.SemaphoreType.DMA,
        pltpu.SemaphoreType.DMA,
        pltpu.SemaphoreType.DMA,
    ],
)
def _sc_scatter(q_hbm, src_hbm, dst_hbm, zeros_hbm, out_hbm,
                src_a, dst_a, src_b, dst_b, srct_v, dstt_v,
                rows_a, rows_b, rowst, acc, sem_ga, sem_gb, sem_sa, sem_sb):
    c = lax.axis_index("c")
    s = lax.axis_index("s")
    wid = c * NS + s
    pltpu.sync_copy(zeros_hbm, acc.at[pl.ds(s * RPT, RPT)])
    plsc.subcore_barrier()

    base = wid * EPT

    def body(k, carry):
        offa = base + (2 * k) * CHUNK
        offb = base + (2 * k + 1) * CHUNK
        pltpu.sync_copy(src_hbm.at[pl.ds(offa, CHUNK)], src_a)
        pltpu.sync_copy(src_hbm.at[pl.ds(offb, CHUNK)], src_b)
        ga = pltpu.async_copy(q_hbm.at[src_a], rows_a, sem_ga)
        gb = pltpu.async_copy(q_hbm.at[src_b], rows_b, sem_gb)
        pltpu.sync_copy(dst_hbm.at[pl.ds(offa, CHUNK)], dst_a)
        pltpu.sync_copy(dst_hbm.at[pl.ds(offb, CHUNK)], dst_b)
        ga.wait()
        pltpu.sync_copy(rows_a, acc.at[dst_a], add=True)
        gb.wait()
        pltpu.sync_copy(rows_b, acc.at[dst_b], add=True)
        return carry

    lax.fori_loop(0, NFULL // 2, body, 0)
    off = base + NFULL * CHUNK
    pltpu.sync_copy(src_hbm.at[pl.ds(off, TAIL)], srct_v)
    pltpu.sync_copy(dst_hbm.at[pl.ds(off, TAIL)], dstt_v)
    pltpu.async_copy(q_hbm.at[srct_v], rowst, sem_ga).wait()
    pltpu.sync_copy(rowst, acc.at[dstt_v], add=True)

    plsc.subcore_barrier()
    pltpu.sync_copy(
        acc.at[pl.ds(s * RPT, RPT)],
        out_hbm.at[c, pl.ds(s * RPT, RPT)],
    )


BLK = 1000
GRID = N // BLK
def _tc_first_body(dga_ref, dgb_ref, x_ref, w_ref, q_ref, dinv_ref):
    deg = dga_ref[...] + dgb_ref[...] + 1.0
    div = lax.rsqrt(deg)
    dinv_ref[...] = div
    q_ref[...] = div * jnp.dot(x_ref[...], w_ref[...],
                               preferred_element_type=jnp.float32)


_tc_first = pl.pallas_call(
    _tc_first_body,
    grid=(GRID,),
    in_specs=[
        pl.BlockSpec((BLK, 1), lambda i: (i, 0)),
        pl.BlockSpec((BLK, 1), lambda i: (i, 0)),
        pl.BlockSpec((BLK, D), lambda i: (i, 0)),
        pl.BlockSpec((D, D), lambda i: (0, 0)),
    ],
    out_specs=[
        pl.BlockSpec((BLK, D), lambda i: (i, 0)),
        pl.BlockSpec((BLK, 1), lambda i: (i, 0)),
    ],
    out_shape=[
        jax.ShapeDtypeStruct((N, D), jnp.float32),
        jax.ShapeDtypeStruct((N, 1), jnp.float32),
    ],
)


def _tc_mid_body(sa_ref, sb_ref, q_ref, dinv_ref, b_ref, w_ref,
                 x_ref, qn_ref):
    div = dinv_ref[...]
    xn = div * (sa_ref[...] + sb_ref[...] + q_ref[...]) + b_ref[...]
    x_ref[...] = xn
    qn_ref[...] = div * jnp.dot(xn, w_ref[...],
                                preferred_element_type=jnp.float32)


_tc_mid = pl.pallas_call(
    _tc_mid_body,
    grid=(GRID,),
    in_specs=[
        pl.BlockSpec((BLK, D), lambda i: (i, 0)),
        pl.BlockSpec((BLK, D), lambda i: (i, 0)),
        pl.BlockSpec((BLK, D), lambda i: (i, 0)),
        pl.BlockSpec((BLK, 1), lambda i: (i, 0)),
        pl.BlockSpec((1, D), lambda i: (0, 0)),
        pl.BlockSpec((D, D), lambda i: (0, 0)),
    ],
    out_specs=[
        pl.BlockSpec((BLK, D), lambda i: (i, 0)),
        pl.BlockSpec((BLK, D), lambda i: (i, 0)),
    ],
    out_shape=[
        jax.ShapeDtypeStruct((N, D), jnp.float32),
        jax.ShapeDtypeStruct((N, D), jnp.float32),
    ],
)


def _tc_final_body(x0_ref, x1_ref, x2_ref, sa_ref, sb_ref, q_ref, dinv_ref,
                   b_ref, wlin_ref, blin_ref, hcat_ref, lab_ref):
    x3 = dinv_ref[...] * (sa_ref[...] + sb_ref[...] + q_ref[...]) + b_ref[...]
    h = jnp.concatenate([x0_ref[...], x1_ref[...], x2_ref[...], x3], axis=-1)
    hcat_ref[...] = h
    lab_ref[...] = jnp.dot(h, wlin_ref[...],
                           preferred_element_type=jnp.float32) + blin_ref[...]


_tc_final = pl.pallas_call(
    _tc_final_body,
    grid=(GRID,),
    in_specs=[
        pl.BlockSpec((BLK, D), lambda i: (i, 0)),
        pl.BlockSpec((BLK, D), lambda i: (i, 0)),
        pl.BlockSpec((BLK, D), lambda i: (i, 0)),
        pl.BlockSpec((BLK, D), lambda i: (i, 0)),
        pl.BlockSpec((BLK, D), lambda i: (i, 0)),
        pl.BlockSpec((BLK, D), lambda i: (i, 0)),
        pl.BlockSpec((BLK, 1), lambda i: (i, 0)),
        pl.BlockSpec((1, D), lambda i: (0, 0)),
        pl.BlockSpec((4 * D, C), lambda i: (0, 0)),
        pl.BlockSpec((1, C), lambda i: (0, 0)),
    ],
    out_specs=[
        pl.BlockSpec((BLK, 4 * D), lambda i: (i, 0)),
        pl.BlockSpec((BLK, C), lambda i: (i, 0)),
    ],
    out_shape=[
        jax.ShapeDtypeStruct((N, 4 * D), jnp.float32),
        jax.ShapeDtypeStruct((N, C), jnp.float32),
    ],
)


def kernel(x, edge_index, W1, b1, W2, b2, W3, b3, Wlin, blin):
    src = edge_index[0]
    dst = edge_index[1]

    ones16 = jnp.ones((CHUNK, 16), jnp.float32)
    z16 = jnp.zeros((RPT, 16), jnp.float32)
    z128 = jnp.zeros((RPT, D), jnp.float32)

    degs = _sc_degree(dst, ones16, z16)
    dga = degs[0, :N, :1]
    dgb = degs[1, :N, :1]

    q1, dinv = _tc_first(dga, dgb, x, W1)
    s1 = _sc_scatter(q1, src, dst, z128)
    x1, q2 = _tc_mid(s1[0, :N], s1[1, :N], q1, dinv, b1.reshape(1, D), W2)
    s2 = _sc_scatter(q2, src, dst, z128)
    x2, q3 = _tc_mid(s2[0, :N], s2[1, :N], q2, dinv, b2.reshape(1, D), W3)
    s3 = _sc_scatter(q3, src, dst, z128)
    hcat, labels = _tc_final(x, x1, x2, s3[0, :N], s3[1, :N], q3, dinv,
                             b3.reshape(1, D), Wlin, blin.reshape(1, C))
    return (labels, hcat)

# --- scband reference (transcript-rebuilt; emitter-appended) ---
"""Pipeline reference for scband-multigcn-16810501996622 (READ-ONLY COPY).

The authoritative reference and input builder live on the scoring server;
editing this copy changes nothing except your own understanding.
"""

import jax, jax.numpy as jnp
import numpy as np

N = 10000
E = 320000
D = 128
C = 64


def gcn_conv(x, edge_index, W, b):
    # Faithful PyG GCNConv: linear (no bias), add self-loops, sym-normalize, scatter-add, add bias
    n = x.shape[0]
    src = edge_index[0]
    dst = edge_index[1]
    loop = jnp.arange(n, dtype=src.dtype)
    src = jnp.concatenate([src, loop])
    dst = jnp.concatenate([dst, loop])
    deg = jnp.zeros((n,), dtype=x.dtype).at[dst].add(1.0)
    dinv = jnp.where(deg > 0, deg ** -0.5, 0.0)
    norm = dinv[src] * dinv[dst]
    h = x @ W
    msg = h[src] * norm[:, None]
    out = jnp.zeros((n, W.shape[1]), dtype=x.dtype).at[dst].add(msg)
    return out + b


def setup_inputs(seed: int = 0) -> dict:
    key = jax.random.key(seed)
    ks = jax.random.split(key, 12)
    x = jax.random.normal(ks[0], (N, D), dtype=jnp.float32)
    edge_index = jax.random.randint(ks[1], (2, E), 0, N, dtype=jnp.int32)
    s = 1.0 / np.sqrt(D)
    W1 = jax.random.normal(ks[2], (D, D), dtype=jnp.float32) * s
    b1 = jnp.zeros((D,), dtype=jnp.float32)
    W2 = jax.random.normal(ks[3], (D, D), dtype=jnp.float32) * s
    b2 = jnp.zeros((D,), dtype=jnp.float32)
    W3 = jax.random.normal(ks[4], (D, D), dtype=jnp.float32) * s
    b3 = jnp.zeros((D,), dtype=jnp.float32)
    d_cat = D + D * 3
    Wlin = jax.random.normal(ks[5], (d_cat, C), dtype=jnp.float32) * (1.0 / np.sqrt(d_cat))
    blin = jnp.zeros((C,), dtype=jnp.float32)
    return {"x": x, "edge_index": edge_index, "W1": W1, "b1": b1, "W2": W2, "b2": b2, "W3": W3, "b3": b3, "Wlin": Wlin, "blin": blin}


def reference(x, edge_index, W1, b1, W2, b2, W3, b3, Wlin, blin):
    xs = [x]
    for (W, b) in [(W1, b1), (W2, b2), (W3, b3)]:
        xs.append(gcn_conv(xs[-1], edge_index, W, b))
    h_unmasked = jnp.concatenate(xs, axis=-1)
    predicted_labels = h_unmasked @ Wlin + blin
    return (predicted_labels, h_unmasked)

if __name__ == "__main__":
    import jax
    _d = setup_inputs()
    print(jax.jit(kernel)(*tuple(_d.values())))

</pallas_src>

<mosaic_0001>
#map = affine_map<(d0, d1) -> (0, 0)>
#map1 = affine_map<(d0, d1) -> (0)>
#map2 = affine_map<(d0, d1) -> (0, 0, 0)>
module attributes {stable_mosaic.version = 14 : i64} {
  func.func @_sc_scatter(%arg0: i32, %arg1: i32, %arg2: memref<10000x128xf32, #tpu.memory_space<hbm>>, %arg3: memref<320000xi32, #tpu.memory_space<hbm>>, %arg4: memref<320000xi32, #tpu.memory_space<hbm>>, %arg5: memref<632x128xf32, #tpu.memory_space<hbm>>, %arg6: memref<2x10112x128xf32, #tpu.memory_space<hbm>>, %arg7: memref<128xi32, #tpu.memory_space<vmem>>, %arg8: memref<128xi32, #tpu.memory_space<vmem>>, %arg9: memref<128xi32, #tpu.memory_space<vmem>>, %arg10: memref<128xi32, #tpu.memory_space<vmem>>, %arg11: memref<16xi32, #tpu.memory_space<vmem>>, %arg12: memref<16xi32, #tpu.memory_space<vmem>>, %arg13: memref<128x128xf32, #tpu.memory_space<vmem>>, %arg14: memref<128x128xf32, #tpu.memory_space<vmem>>, %arg15: memref<16x128xf32, #tpu.memory_space<vmem>>, %arg16: memref<10112x128xf32, #tpu.memory_space<vmem_shared>>, %arg17: memref<!tpu.dma_semaphore, #tpu.memory_space<semaphore_mem>>, %arg18: memref<!tpu.dma_semaphore, #tpu.memory_space<semaphore_mem>>, %arg19: memref<!tpu.dma_semaphore, #tpu.memory_space<semaphore_mem>>, %arg20: memref<!tpu.dma_semaphore, #tpu.memory_space<semaphore_mem>>) attributes {dimension_semantics = [#tpu.dimension_semantics<core_parallel>, #tpu.dimension_semantics<subcore_parallel>], iteration_bounds = array<i64: 2, 16>, scalar_prefetch = 0 : i64, scratch_operands = 14 : i64, tpu.core_type = #tpu.core_type<sc_vector_subcore>, window_params = [{transform_indices = #map}, {transform_indices = #map1}, {transform_indices = #map1}, {transform_indices = #map}, {transform_indices = #map2}]} {
    %mul3A = arith.constant 16 : i32
    %mul3A_0 = arith.muli %arg0, %mul3A : i32
    %add3A = arith.addi %mul3A_0, %arg1 : i32
    %mul3A_1 = arith.constant 632 : i32
    %mul3A_2 = arith.muli %arg1, %mul3A_1 : i32
    "tpu.region"() ({
      %run_scoped3A = tpu.sem_alloc : memref<!tpu.dma_semaphore, #tpu.memory_space<semaphore_mem>>
      %dma_start3A_21 = arith.constant 0 : i32
      %dma_start3A_22 = tpu.memref_slice %arg16[%mul3A_2, %dma_start3A_21] : memref<10112x128xf32, #tpu.memory_space<vmem_shared>> -> memref<632x128xf32, #tpu.memory_space<vmem_shared>>
      tpu.enqueue_dma source(%arg5 : memref<632x128xf32, #tpu.memory_space<hbm>>) target(%dma_start3A_22 : memref<632x128xf32, #tpu.memory_space<vmem_shared>>) target_semaphore(%run_scoped3A : memref<!tpu.dma_semaphore, #tpu.memory_space<semaphore_mem>>)
      %dma_wait3A_23 = arith.constant 0 : i32
      %dma_wait3A_24 = tpu.memref_slice %arg16[%mul3A_2, %dma_wait3A_23] : memref<10112x128xf32, #tpu.memory_space<vmem_shared>> -> memref<632x128xf32, #tpu.memory_space<vmem_shared>>
      tpu.wait_dma2 semaphore(%run_scoped3A : memref<!tpu.dma_semaphore, #tpu.memory_space<semaphore_mem>>) src(%arg5 : memref<632x128xf32, #tpu.memory_space<hbm>>) dst(%dma_wait3A_24 : memref<632x128xf32, #tpu.memory_space<vmem_shared>>)
      tpu.yield
    }) : () -> ()
    %barrier3A = arith.constant 0 : index
    tpu.barrier barrier_id(%barrier3A)
    %mul3A_3 = arith.constant 10000 : i32
    %mul3A_4 = arith.muli %add3A, %mul3A_3 : i32
    %scan3A = arith.constant 0 : i32
    %scan3A_5 = arith.constant 0 : i32
    %scan3A_6 = arith.constant 39 : i32
    %scan3A_7 = arith.addi %scan3A_5, %scan3A_6 : i32
    %scan3A_8 = arith.constant 1 : i32
    scf.for %scan3A_21 = %scan3A_5 to %scan3A_7 step %scan3A_8  : i32 {
      %mul3A_22 = arith.constant 2 : i32
      %mul3A_23 = arith.muli %mul3A_22, %scan3A_21 : i32
      %mul3A_24 = arith.constant 128 : i32
      %mul3A_25 = arith.muli %mul3A_23, %mul3A_24 : i32
      %add3A_26 = arith.addi %mul3A_4, %mul3A_25 : i32
      %mul3A_27 = arith.constant 2 : i32
      %mul3A_28 = arith.muli %mul3A_27, %scan3A_21 : i32
      %add3A_29 = arith.constant 1 : i32
      %add3A_30 = arith.addi %mul3A_28, %add3A_29 : i32
      %mul3A_31 = arith.constant 128 : i32
      %mul3A_32 = arith.muli %add3A_30, %mul3A_31 : i32
      %add3A_33 = arith.addi %mul3A_4, %mul3A_32 : i32
      "tpu.region"() ({
        %run_scoped3A = tpu.sem_alloc : memref<!tpu.dma_semaphore, #tpu.memory_space<semaphore_mem>>
        %dma_start3A_46 = tpu.memref_slice %arg3[%add3A_26] : memref<320000xi32, #tpu.memory_space<hbm>> -> memref<128xi32, #tpu.memory_space<hbm>>
        %dma_start3A_47 = tpu.memref_slice %arg3[%add3A_26] : memref<320000xi32, #tpu.memory_space<hbm>> -> memref<128xi32, #tpu.memory_space<hbm>>
        tpu.enqueue_dma source(%dma_start3A_47 : memref<128xi32, #tpu.memory_space<hbm>>) target(%arg7 : memref<128xi32, #tpu.memory_space<vmem>>) target_semaphore(%run_scoped3A : memref<!tpu.dma_semaphore, #tpu.memory_space<semaphore_mem>>)
        %dma_wait3A_48 = tpu.memref_slice %arg3[%add3A_26] : memref<320000xi32, #tpu.memory_space<hbm>> -> memref<128xi32, #tpu.memory_space<hbm>>
        %dma_wait3A_49 = tpu.memref_slice %arg3[%add3A_26] : memref<320000xi32, #tpu.memory_space<hbm>> -> memref<128xi32, #tpu.memory_space<hbm>>
        tpu.wait_dma2 semaphore(%run_scoped3A : memref<!tpu.dma_semaphore, #tpu.memory_space<semaphore_mem>>) src(%dma_wait3A_49 : memref<128xi32, #tpu.memory_space<hbm>>) dst(%arg7 : memref<128xi32, #tpu.memory_space<vmem>>)
        tpu.yield
      }) : () -> ()
      "tpu.region"() ({
        %run_scoped3A = tpu.sem_alloc : memref<!tpu.dma_semaphore, #tpu.memory_space<semaphore_mem>>
        %dma_start3A_46 = tpu.memref_slice %arg3[%add3A_33] : memref<320000xi32, #tpu.memory_space<hbm>> -> memref<128xi32, #tpu.memory_space<hbm>>
        %dma_start3A_47 = tpu.memref_slice %arg3[%add3A_33] : memref<320000xi32, #tpu.memory_space<hbm>> -> memref<128xi32, #tpu.memory_space<hbm>>
        tpu.enqueue_dma source(%dma_start3A_47 : memref<128xi32, #tpu.memory_space<hbm>>) target(%arg9 : memref<128xi32, #tpu.memory_space<vmem>>) target_semaphore(%run_scoped3A : memref<!tpu.dma_semaphore, #tpu.memory_space<semaphore_mem>>)
        %dma_wait3A_48 = tpu.memref_slice %arg3[%add3A_33] : memref<320000xi32, #tpu.memory_space<hbm>> -> memref<128xi32, #tpu.memory_space<hbm>>
        %dma_wait3A_49 = tpu.memref_slice %arg3[%add3A_33] : memref<320000xi32, #tpu.memory_space<hbm>> -> memref<128xi32, #tpu.memory_space<hbm>>
        tpu.wait_dma2 semaphore(%run_scoped3A : memref<!tpu.dma_semaphore, #tpu.memory_space<semaphore_mem>>) src(%dma_wait3A_49 : memref<128xi32, #tpu.memory_space<hbm>>) dst(%arg9 : memref<128xi32, #tpu.memory_space<vmem>>)
        tpu.yield
      }) : () -> ()
      %dma_start3A_34 = arith.constant 0 : i32
      %dma_start3A_35 = arith.constant 0 : i32
      %dma_start3A_36 = tpu.memref_slice %arg2[%dma_start3A_34, %dma_start3A_35] : memref<10000x128xf32, #tpu.memory_space<hbm>> -> memref<10000x128xf32, #tpu.memory_space<hbm>>
      tpu.enqueue_indirect_dma source(%dma_start3A_36 : memref<10000x128xf32, #tpu.memory_space<hbm>>) target(%arg13 : memref<128x128xf32, #tpu.memory_space<vmem>>) offsets(%arg7 : memref<128xi32, #tpu.memory_space<vmem>>) semaphore(%arg17 : memref<!tpu.dma_semaphore, #tpu.memory_space<semaphore_mem>>)
      %dma_start3A_37 = arith.constant 0 : i32
      %dma_start3A_38 = arith.constant 0 : i32
      %dma_start3A_39 = tpu.memref_slice %arg2[%dma_start3A_37, %dma_start3A_38] : memref<10000x128xf32, #tpu.memory_space<hbm>> -> memref<10000x128xf32, #tpu.memory_space<hbm>>
      tpu.enqueue_indirect_dma source(%dma_start3A_39 : memref<10000x128xf32, #tpu.memory_space<hbm>>) target(%arg14 : memref<128x128xf32, #tpu.memory_space<vmem>>) offsets(%arg9 : memref<128xi32, #tpu.memory_space<vmem>>) semaphore(%arg18 : memref<!tpu.dma_semaphore, #tpu.memory_space<semaphore_mem>>)
      "tpu.region"() ({
        %run_scoped3A = tpu.sem_alloc : memref<!tpu.dma_semaphore, #tpu.memory_space<semaphore_mem>>
        %dma_start3A_46 = tpu.memref_slice %arg4[%add3A_26] : memref<320000xi32, #tpu.memory_space<hbm>> -> memref<128xi32, #tpu.memory_space<hbm>>
        %dma_start3A_47 = tpu.memref_slice %arg4[%add3A_26] : memref<320000xi32, #tpu.memory_space<hbm>> -> memref<128xi32, #tpu.memory_space<hbm>>
        tpu.enqueue_dma source(%dma_start3A_47 : memref<128xi32, #tpu.memory_space<hbm>>) target(%arg8 : memref<128xi32, #tpu.memory_space<vmem>>) target_semaphore(%run_scoped3A : memref<!tpu.dma_semaphore, #tpu.memory_space<semaphore_mem>>)
        %dma_wait3A_48 = tpu.memref_slice %arg4[%add3A_26] : memref<320000xi32, #tpu.memory_space<hbm>> -> memref<128xi32, #tpu.memory_space<hbm>>
        %dma_wait3A_49 = tpu.memref_slice %arg4[%add3A_26] : memref<320000xi32, #tpu.memory_space<hbm>> -> memref<128xi32, #tpu.memory_space<hbm>>
        tpu.wait_dma2 semaphore(%run_scoped3A : memref<!tpu.dma_semaphore, #tpu.memory_space<semaphore_mem>>) src(%dma_wait3A_49 : memref<128xi32, #tpu.memory_space<hbm>>) dst(%arg8 : memref<128xi32, #tpu.memory_space<vmem>>)
        tpu.yield
      }) : () -> ()
      "tpu.region"() ({
        %run_scoped3A = tpu.sem_alloc : memref<!tpu.dma_semaphore, #tpu.memory_space<semaphore_mem>>
        %dma_start3A_46 = tpu.memref_slice %arg4[%add3A_33] : memref<320000xi32, #tpu.memory_space<hbm>> -> memref<128xi32, #tpu.memory_space<hbm>>
        %dma_start3A_47 = tpu.memref_slice %arg4[%add3A_33] : memref<320000xi32, #tpu.memory_space<hbm>> -> memref<128xi32, #tpu.memory_space<hbm>>
        tpu.enqueue_dma source(%dma_start3A_47 : memref<128xi32, #tpu.memory_space<hbm>>) target(%arg10 : memref<128xi32, #tpu.memory_space<vmem>>) target_semaphore(%run_scoped3A : memref<!tpu.dma_semaphore, #tpu.memory_space<semaphore_mem>>)
        %dma_wait3A_48 = tpu.memref_slice %arg4[%add3A_33] : memref<320000xi32, #tpu.memory_space<hbm>> -> memref<128xi32, #tpu.memory_space<hbm>>
        %dma_wait3A_49 = tpu.memref_slice %arg4[%add3A_33] : memref<320000xi32, #tpu.memory_space<hbm>> -> memref<128xi32, #tpu.memory_space<hbm>>
        tpu.wait_dma2 semaphore(%run_scoped3A : memref<!tpu.dma_semaphore, #tpu.memory_space<semaphore_mem>>) src(%dma_wait3A_49 : memref<128xi32, #tpu.memory_space<hbm>>) dst(%arg10 : memref<128xi32, #tpu.memory_space<vmem>>)
        tpu.yield
      }) : () -> ()
      %dma_wait3A_40 = arith.constant 0 : i32
      %dma_wait3A_41 = arith.constant 0 : i32
      %dma_wait3A_42 = tpu.memref_slice %arg2[%dma_wait3A_40, %dma_wait3A_41] : memref<10000x128xf32, #tpu.memory_space<hbm>> -> memref<10000x128xf32, #tpu.memory_space<hbm>>
      tpu.wait_indirect_dma semaphore(%arg17 : memref<!tpu.dma_semaphore, #tpu.memory_space<semaphore_mem>>) src(%dma_wait3A_42 : memref<10000x128xf32, #tpu.memory_space<hbm>>) dst(%arg13 : memref<128x128xf32, #tpu.memory_space<vmem>>)
      "tpu.region"() ({
        %run_scoped3A = tpu.sem_alloc : memref<!tpu.dma_semaphore, #tpu.memory_space<semaphore_mem>>
        %dma_start3A_46 = arith.constant 0 : i32
        %dma_start3A_47 = arith.constant 0 : i32
        %dma_start3A_48 = tpu.memref_slice %arg16[%dma_start3A_46, %dma_start3A_47] : memref<10112x128xf32, #tpu.memory_space<vmem_shared>> -> memref<10112x128xf32, #tpu.memory_space<vmem_shared>>
        tpu.enqueue_indirect_dma source(%arg13 : memref<128x128xf32, #tpu.memory_space<vmem>>) target(%dma_start3A_48 : memref<10112x128xf32, #tpu.memory_space<vmem_shared>>) offsets(%arg8 : memref<128xi32, #tpu.memory_space<vmem>>) semaphore(%run_scoped3A : memref<!tpu.dma_semaphore, #tpu.memory_space<semaphore_mem>>) {add = true}
        %dma_wait3A_49 = arith.constant 0 : i32
        %dma_wait3A_50 = arith.constant 0 : i32
        %dma_wait3A_51 = tpu.memref_slice %arg16[%dma_wait3A_49, %dma_wait3A_50] : memref<10112x128xf32, #tpu.memory_space<vmem_shared>> -> memref<10112x128xf32, #tpu.memory_space<vmem_shared>>
        tpu.wait_indirect_dma semaphore(%run_scoped3A : memref<!tpu.dma_semaphore, #tpu.memory_space<semaphore_mem>>) src(%arg13 : memref<128x128xf32, #tpu.memory_space<vmem>>) dst(%dma_wait3A_51 : memref<10112x128xf32, #tpu.memory_space<vmem_shared>>)
        tpu.yield
      }) : () -> ()
      %dma_wait3A_43 = arith.constant 0 : i32
      %dma_wait3A_44 = arith.constant 0 : i32
      %dma_wait3A_45 = tpu.memref_slice %arg2[%dma_wait3A_43, %dma_wait3A_44] : memref<10000x128xf32, #tpu.memory_space<hbm>> -> memref<10000x128xf32, #tpu.memory_space<hbm>>
      tpu.wait_indirect_dma semaphore(%arg18 : memref<!tpu.dma_semaphore, #tpu.memory_space<semaphore_mem>>) src(%dma_wait3A_45 : memref<10000x128xf32, #tpu.memory_space<hbm>>) dst(%arg14 : memref<128x128xf32, #tpu.memory_space<vmem>>)
      "tpu.region"() ({
        %run_scoped3A = tpu.sem_alloc : memref<!tpu.dma_semaphore, #tpu.memory_space<semaphore_mem>>
        %dma_start3A_46 = arith.constant 0 : i32
        %dma_start3A_47 = arith.constant 0 : i32
        %dma_start3A_48 = tpu.memref_slice %arg16[%dma_start3A_46, %dma_start3A_47] : memref<10112x128xf32, #tpu.memory_space<vmem_shared>> -> memref<10112x128xf32, #tpu.memory_space<vmem_shared>>
        tpu.enqueue_indirect_dma source(%arg14 : memref<128x128xf32, #tpu.memory_space<vmem>>) target(%dma_start3A_48 : memref<10112x128xf32, #tpu.memory_space<vmem_shared>>) offsets(%arg10 : memref<128xi32, #tpu.memory_space<vmem>>) semaphore(%run_scoped3A : memref<!tpu.dma_semaphore, #tpu.memory_space<semaphore_mem>>) {add = true}
        %dma_wait3A_49 = arith.constant 0 : i32
        %dma_wait3A_50 = arith.constant 0 : i32
        %dma_wait3A_51 = tpu.memref_slice %arg16[%dma_wait3A_49, %dma_wait3A_50] : memref<10112x128xf32, #tpu.memory_space<vmem_shared>> -> memref<10112x128xf32, #tpu.memory_space<vmem_shared>>
        tpu.wait_indirect_dma semaphore(%run_scoped3A : memref<!tpu.dma_semaphore, #tpu.memory_space<semaphore_mem>>) src(%arg14 : memref<128x128xf32, #tpu.memory_space<vmem>>) dst(%dma_wait3A_51 : memref<10112x128xf32, #tpu.memory_space<vmem_shared>>)
        tpu.yield
      }) : () -> ()
    }
    %scan3A_9 = arith.constant 39 : i32
    %add3A_10 = arith.constant 9984 : i32
    %add3A_11 = arith.addi %mul3A_4, %add3A_10 : i32
    "tpu.region"() ({
      %run_scoped3A = tpu.sem_alloc : memref<!tpu.dma_semaphore, #tpu.memory_space<semaphore_mem>>
      %dma_start3A_21 = tpu.memref_slice %arg3[%add3A_11] : memref<320000xi32, #tpu.memory_space<hbm>> -> memref<16xi32, #tpu.memory_space<hbm>>
      %dma_start3A_22 = tpu.memref_slice %arg3[%add3A_11] : memref<320000xi32, #tpu.memory_space<hbm>> -> memref<16xi32, #tpu.memory_space<hbm>>
      tpu.enqueue_dma source(%dma_start3A_22 : memref<16xi32, #tpu.memory_space<hbm>>) target(%arg11 : memref<16xi32, #tpu.memory_space<vmem>>) target_semaphore(%run_scoped3A : memref<!tpu.dma_semaphore, #tpu.memory_space<semaphore_mem>>)
      %dma_wait3A_23 = tpu.memref_slice %arg3[%add3A_11] : memref<320000xi32, #tpu.memory_space<hbm>> -> memref<16xi32, #tpu.memory_space<hbm>>
      %dma_wait3A_24 = tpu.memref_slice %arg3[%add3A_11] : memref<320000xi32, #tpu.memory_space<hbm>> -> memref<16xi32, #tpu.memory_space<hbm>>
      tpu.wait_dma2 semaphore(%run_scoped3A : memref<!tpu.dma_semaphore, #tpu.memory_space<semaphore_mem>>) src(%dma_wait3A_24 : memref<16xi32, #tpu.memory_space<hbm>>) dst(%arg11 : memref<16xi32, #tpu.memory_space<vmem>>)
      tpu.yield
    }) : () -> ()
    "tpu.region"() ({
      %run_scoped3A = tpu.sem_alloc : memref<!tpu.dma_semaphore, #tpu.memory_space<semaphore_mem>>
      %dma_start3A_21 = tpu.memref_slice %arg4[%add3A_11] : memref<320000xi32, #tpu.memory_space<hbm>> -> memref<16xi32, #tpu.memory_space<hbm>>
      %dma_start3A_22 = tpu.memref_slice %arg4[%add3A_11] : memref<320000xi32, #tpu.memory_space<hbm>> -> memref<16xi32, #tpu.memory_space<hbm>>
      tpu.enqueue_dma source(%dma_start3A_22 : memref<16xi32, #tpu.memory_space<hbm>>) target(%arg12 : memref<16xi32, #tpu.memory_space<vmem>>) target_semaphore(%run_scoped3A : memref<!tpu.dma_semaphore, #tpu.memory_space<semaphore_mem>>)
      %dma_wait3A_23 = tpu.memref_slice %arg4[%add3A_11] : memref<320000xi32, #tpu.memory_space<hbm>> -> memref<16xi32, #tpu.memory_space<hbm>>
      %dma_wait3A_24 = tpu.memref_slice %arg4[%add3A_11] : memref<320000xi32, #tpu.memory_space<hbm>> -> memref<16xi32, #tpu.memory_space<hbm>>
      tpu.wait_dma2 semaphore(%run_scoped3A : memref<!tpu.dma_semaphore, #tpu.memory_space<semaphore_mem>>) src(%dma_wait3A_24 : memref<16xi32, #tpu.memory_space<hbm>>) dst(%arg12 : memref<16xi32, #tpu.memory_space<vmem>>)
      tpu.yield
    }) : () -> ()
    %dma_start3A = arith.constant 0 : i32
    %dma_start3A_12 = arith.constant 0 : i32
    %dma_start3A_13 = tpu.memref_slice %arg2[%dma_start3A, %dma_start3A_12] : memref<10000x128xf32, #tpu.memory_space<hbm>> -> memref<10000x128xf32, #tpu.memory_space<hbm>>
    tpu.enqueue_indirect_dma source(%dma_start3A_13 : memref<10000x128xf32, #tpu.memory_space<hbm>>) target(%arg15 : memref<16x128xf32, #tpu.memory_space<vmem>>) offsets(%arg11 : memref<16xi32, #tpu.memory_space<vmem>>) semaphore(%arg17 : memref<!tpu.dma_semaphore, #tpu.memory_space<semaphore_mem>>)
    %dma_wait3A = arith.constant 0 : i32
    %dma_wait3A_14 = arith.constant 0 : i32
    %dma_wait3A_15 = tpu.memref_slice %arg2[%dma_wait3A, %dma_wait3A_14] : memref<10000x128xf32, #tpu.memory_space<hbm>> -> memref<10000x128xf32, #tpu.memory_space<hbm>>
    tpu.wait_indirect_dma semaphore(%arg17 : memref<!tpu.dma_semaphore, #tpu.memory_space<semaphore_mem>>) src(%dma_wait3A_15 : memref<10000x128xf32, #tpu.memory_space<hbm>>) dst(%arg15 : memref<16x128xf32, #tpu.memory_space<vmem>>)
    "tpu.region"() ({
      %run_scoped3A = tpu.sem_alloc : memref<!tpu.dma_semaphore, #tpu.memory_space<semaphore_mem>>
      %dma_start3A_21 = arith.constant 0 : i32
      %dma_start3A_22 = arith.constant 0 : i32
      %dma_start3A_23 = tpu.memref_slice %arg16[%dma_start3A_21, %dma_start3A_22] : memref<10112x128xf32, #tpu.memory_space<vmem_shared>> -> memref<10112x128xf32, #tpu.memory_space<vmem_shared>>
      tpu.enqueue_indirect_dma source(%arg15 : memref<16x128xf32, #tpu.memory_space<vmem>>) target(%dma_start3A_23 : memref<10112x128xf32, #tpu.memory_space<vmem_shared>>) offsets(%arg12 : memref<16xi32, #tpu.memory_space<vmem>>) semaphore(%run_scoped3A : memref<!tpu.dma_semaphore, #tpu.memory_space<semaphore_mem>>) {add = true}
      %dma_wait3A_24 = arith.constant 0 : i32
      %dma_wait3A_25 = arith.constant 0 : i32
      %dma_wait3A_26 = tpu.memref_slice %arg16[%dma_wait3A_24, %dma_wait3A_25] : memref<10112x128xf32, #tpu.memory_space<vmem_shared>> -> memref<10112x128xf32, #tpu.memory_space<vmem_shared>>
      tpu.wait_indirect_dma semaphore(%run_scoped3A : memref<!tpu.dma_semaphore, #tpu.memory_space<semaphore_mem>>) src(%arg15 : memref<16x128xf32, #tpu.memory_space<vmem>>) dst(%dma_wait3A_26 : memref<10112x128xf32, #tpu.memory_space<vmem_shared>>)
      tpu.yield
    }) : () -> ()
    %barrier3A_16 = arith.constant 0 : index
    tpu.barrier barrier_id(%barrier3A_16)
    %mul3A_17 = arith.constant 632 : i32
    %mul3A_18 = arith.muli %arg1, %mul3A_17 : i32
    %mul3A_19 = arith.constant 632 : i32
    %mul3A_20 = arith.muli %arg1, %mul3A_19 : i32
    "tpu.region"() ({
      %run_scoped3A = tpu.sem_alloc : memref<!tpu.dma_semaphore, #tpu.memory_space<semaphore_mem>>
      %dma_start3A_21 = arith.constant 0 : i32
      %dma_start3A_22 = tpu.memref_slice %arg6[%arg0, %mul3A_20, %dma_start3A_21] : memref<2x10112x128xf32, #tpu.memory_space<hbm>> -> memref<1x632x128xf32, #tpu.memory_space<hbm>>
      %dma_start3A_23 = tpu.memref_squeeze %dma_start3A_22 : memref<1x632x128xf32, #tpu.memory_space<hbm>> -> memref<632x128xf32, #tpu.memory_space<hbm>>
      %dma_start3A_24 = arith.constant 0 : i32
      %dma_start3A_25 = tpu.memref_slice %arg16[%mul3A_18, %dma_start3A_24] : memref<10112x128xf32, #tpu.memory_space<vmem_shared>> -> memref<632x128xf32, #tpu.memory_space<vmem_shared>>
      tpu.enqueue_dma source(%dma_start3A_25 : memref<632x128xf32, #tpu.memory_space<vmem_shared>>) target(%dma_start3A_23 : memref<632x128xf32, #tpu.memory_space<hbm>>) target_semaphore(%run_scoped3A : memref<!tpu.dma_semaphore, #tpu.memory_space<semaphore_mem>>)
      %dma_wait3A_26 = arith.constant 0 : i32
      %dma_wait3A_27 = tpu.memref_slice %arg6[%arg0, %mul3A_20, %dma_wait3A_26] : memref<2x10112x128xf32, #tpu.memory_space<hbm>> -> memref<1x632x128xf32, #tpu.memory_space<hbm>>
      %dma_wait3A_28 = tpu.memref_squeeze %dma_wait3A_27 : memref<1x632x128xf32, #tpu.memory_space<hbm>> -> memref<632x128xf32, #tpu.memory_space<hbm>>
      %dma_wait3A_29 = arith.constant 0 : i32
      %dma_wait3A_30 = tpu.memref_slice %arg16[%mul3A_18, %dma_wait3A_29] : memref<10112x128xf32, #tpu.memory_space<vmem_shared>> -> memref<632x128xf32, #tpu.memory_space<vmem_shared>>
      tpu.wait_dma2 semaphore(%run_scoped3A : memref<!tpu.dma_semaphore, #tpu.memory_space<semaphore_mem>>) src(%dma_wait3A_30 : memref<632x128xf32, #tpu.memory_space<vmem_shared>>) dst(%dma_wait3A_28 : memref<632x128xf32, #tpu.memory_space<hbm>>)
      tpu.yield
    }) : () -> ()
    return
  }
}

#map = affine_map<(d0, d1) -> (0)>
#map1 = affine_map<(d0, d1) -> (0, 0)>
#map2 = affine_map<(d0, d1) -> (0, 0, 0)>
module attributes {stable_mosaic.version = 14 : i64} {
  func.func @_sc_degree(%arg0: i32, %arg1: i32, %arg2: memref<320000xi32, #tpu.memory_space<hbm>>, %arg3: memref<128x16xf32, #tpu.memory_space<hbm>>, %arg4: memref<632x16xf32, #tpu.memory_space<hbm>>, %arg5: memref<2x10112x16xf32, #tpu.memory_space<hbm>>, %arg6: memref<128xi32, #tpu.memory_space<vmem>>, %arg7: memref<16xi32, #tpu.memory_space<vmem>>, %arg8: memref<128x16xf32, #tpu.memory_space<vmem>>, %arg9: memref<10112x16xf32, #tpu.memory_space<vmem_shared>>) attributes {dimension_semantics = [#tpu.dimension_semantics<core_parallel>, #tpu.dimension_semantics<subcore_parallel>], iteration_bounds = array<i64: 2, 16>, scalar_prefetch = 0 : i64, scratch_operands = 4 : i64, tpu.core_type = #tpu.core_type<sc_vector_subcore>, window_params = [{transform_indices = #map}, {transform_indices = #map1}, {transform_indices = #map1}, {transform_indices = #map2}]} {
    %mul3A = arith.constant 16 : i32
    %mul3A_0 = arith.muli %arg0, %mul3A : i32
    %add3A = arith.addi %mul3A_0, %arg1 : i32
    %mul3A_1 = arith.constant 632 : i32
    %mul3A_2 = arith.muli %arg1, %mul3A_1 : i32
    "tpu.region"() ({
      %run_scoped3A = tpu.sem_alloc : memref<!tpu.dma_semaphore, #tpu.memory_space<semaphore_mem>>
      %dma_start3A = arith.constant 0 : i32
      %dma_start3A_17 = tpu.memref_slice %arg9[%mul3A_2, %dma_start3A] : memref<10112x16xf32, #tpu.memory_space<vmem_shared>> -> memref<632x16xf32, #tpu.memory_space<vmem_shared>>
      tpu.enqueue_dma source(%arg4 : memref<632x16xf32, #tpu.memory_space<hbm>>) target(%dma_start3A_17 : memref<632x16xf32, #tpu.memory_space<vmem_shared>>) target_semaphore(%run_scoped3A : memref<!tpu.dma_semaphore, #tpu.memory_space<semaphore_mem>>)
      %dma_wait3A = arith.constant 0 : i32
      %dma_wait3A_18 = tpu.memref_slice %arg9[%mul3A_2, %dma_wait3A] : memref<10112x16xf32, #tpu.memory_space<vmem_shared>> -> memref<632x16xf32, #tpu.memory_space<vmem_shared>>
      tpu.wait_dma2 semaphore(%run_scoped3A : memref<!tpu.dma_semaphore, #tpu.memory_space<semaphore_mem>>) src(%arg4 : memref<632x16xf32, #tpu.memory_space<hbm>>) dst(%dma_wait3A_18 : memref<632x16xf32, #tpu.memory_space<vmem_shared>>)
      tpu.yield
    }) : () -> ()
    "tpu.region"() ({
      %run_scoped3A = tpu.sem_alloc : memref<!tpu.dma_semaphore, #tpu.memory_space<semaphore_mem>>
      tpu.enqueue_dma source(%arg3 : memref<128x16xf32, #tpu.memory_space<hbm>>) target(%arg8 : memref<128x16xf32, #tpu.memory_space<vmem>>) target_semaphore(%run_scoped3A : memref<!tpu.dma_semaphore, #tpu.memory_space<semaphore_mem>>)
      tpu.wait_dma2 semaphore(%run_scoped3A : memref<!tpu.dma_semaphore, #tpu.memory_space<semaphore_mem>>) src(%arg3 : memref<128x16xf32, #tpu.memory_space<hbm>>) dst(%arg8 : memref<128x16xf32, #tpu.memory_space<vmem>>)
      tpu.yield
    }) : () -> ()
    %barrier3A = arith.constant 0 : index
    tpu.barrier barrier_id(%barrier3A)
    %mul3A_3 = arith.constant 10000 : i32
    %mul3A_4 = arith.muli %add3A, %mul3A_3 : i32
    %scan3A = arith.constant 0 : i32
    %scan3A_5 = arith.constant 0 : i32
    %scan3A_6 = arith.constant 78 : i32
    %scan3A_7 = arith.addi %scan3A_5, %scan3A_6 : i32
    %scan3A_8 = arith.constant 1 : i32
    scf.for %scan3A_17 = %scan3A_5 to %scan3A_7 step %scan3A_8  : i32 {
      %mul3A_18 = arith.constant 128 : i32
      %mul3A_19 = arith.muli %scan3A_17, %mul3A_18 : i32
      %add3A_20 = arith.addi %mul3A_4, %mul3A_19 : i32
      "tpu.region"() ({
        %run_scoped3A = tpu.sem_alloc : memref<!tpu.dma_semaphore, #tpu.memory_space<semaphore_mem>>
        %dma_start3A = tpu.memref_slice %arg2[%add3A_20] : memref<320000xi32, #tpu.memory_space<hbm>> -> memref<128xi32, #tpu.memory_space<hbm>>
        %dma_start3A_21 = tpu.memref_slice %arg2[%add3A_20] : memref<320000xi32, #tpu.memory_space<hbm>> -> memref<128xi32, #tpu.memory_space<hbm>>
        tpu.enqueue_dma source(%dma_start3A_21 : memref<128xi32, #tpu.memory_space<hbm>>) target(%arg6 : memref<128xi32, #tpu.memory_space<vmem>>) target_semaphore(%run_scoped3A : memref<!tpu.dma_semaphore, #tpu.memory_space<semaphore_mem>>)
        %dma_wait3A = tpu.memref_slice %arg2[%add3A_20] : memref<320000xi32, #tpu.memory_space<hbm>> -> memref<128xi32, #tpu.memory_space<hbm>>
        %dma_wait3A_22 = tpu.memref_slice %arg2[%add3A_20] : memref<320000xi32, #tpu.memory_space<hbm>> -> memref<128xi32, #tpu.memory_space<hbm>>
        tpu.wait_dma2 semaphore(%run_scoped3A : memref<!tpu.dma_semaphore, #tpu.memory_space<semaphore_mem>>) src(%dma_wait3A_22 : memref<128xi32, #tpu.memory_space<hbm>>) dst(%arg6 : memref<128xi32, #tpu.memory_space<vmem>>)
        tpu.yield
      }) : () -> ()
      "tpu.region"() ({
        %run_scoped3A = tpu.sem_alloc : memref<!tpu.dma_semaphore, #tpu.memory_space<semaphore_mem>>
        %dma_start3A = arith.constant 0 : i32
        %dma_start3A_21 = arith.constant 0 : i32
        %dma_start3A_22 = tpu.memref_slice %arg9[%dma_start3A, %dma_start3A_21] : memref<10112x16xf32, #tpu.memory_space<vmem_shared>> -> memref<10112x16xf32, #tpu.memory_space<vmem_shared>>
        tpu.enqueue_indirect_dma source(%arg8 : memref<128x16xf32, #tpu.memory_space<vmem>>) target(%dma_start3A_22 : memref<10112x16xf32, #tpu.memory_space<vmem_shared>>) offsets(%arg6 : memref<128xi32, #tpu.memory_space<vmem>>) semaphore(%run_scoped3A : memref<!tpu.dma_semaphore, #tpu.memory_space<semaphore_mem>>) {add = true}
        %dma_wait3A = arith.constant 0 : i32
        %dma_wait3A_23 = arith.constant 0 : i32
        %dma_wait3A_24 = tpu.memref_slice %arg9[%dma_wait3A, %dma_wait3A_23] : memref<10112x16xf32, #tpu.memory_space<vmem_shared>> -> memref<10112x16xf32, #tpu.memory_space<vmem_shared>>
        tpu.wait_indirect_dma semaphore(%run_scoped3A : memref<!tpu.dma_semaphore, #tpu.memory_space<semaphore_mem>>) src(%arg8 : memref<128x16xf32, #tpu.memory_space<vmem>>) dst(%dma_wait3A_24 : memref<10112x16xf32, #tpu.memory_space<vmem_shared>>)
        tpu.yield
      }) : () -> ()
    }
    %scan3A_9 = arith.constant 78 : i32
    %add3A_10 = arith.constant 9984 : i32
    %add3A_11 = arith.addi %mul3A_4, %add3A_10 : i32
    "tpu.region"() ({
      %run_scoped3A = tpu.sem_alloc : memref<!tpu.dma_semaphore, #tpu.memory_space<semaphore_mem>>
      %dma_start3A = tpu.memref_slice %arg2[%add3A_11] : memref<320000xi32, #tpu.memory_space<hbm>> -> memref<16xi32, #tpu.memory_space<hbm>>
      %dma_start3A_17 = tpu.memref_slice %arg2[%add3A_11] : memref<320000xi32, #tpu.memory_space<hbm>> -> memref<16xi32, #tpu.memory_space<hbm>>
      tpu.enqueue_dma source(%dma_start3A_17 : memref<16xi32, #tpu.memory_space<hbm>>) target(%arg7 : memref<16xi32, #tpu.memory_space<vmem>>) target_semaphore(%run_scoped3A : memref<!tpu.dma_semaphore, #tpu.memory_space<semaphore_mem>>)
      %dma_wait3A = tpu.memref_slice %arg2[%add3A_11] : memref<320000xi32, #tpu.memory_space<hbm>> -> memref<16xi32, #tpu.memory_space<hbm>>
      %dma_wait3A_18 = tpu.memref_slice %arg2[%add3A_11] : memref<320000xi32, #tpu.memory_space<hbm>> -> memref<16xi32, #tpu.memory_space<hbm>>
      tpu.wait_dma2 semaphore(%run_scoped3A : memref<!tpu.dma_semaphore, #tpu.memory_space<semaphore_mem>>) src(%dma_wait3A_18 : memref<16xi32, #tpu.memory_space<hbm>>) dst(%arg7 : memref<16xi32, #tpu.memory_space<vmem>>)
      tpu.yield
    }) : () -> ()
    "tpu.region"() ({
      %run_scoped3A = tpu.sem_alloc : memref<!tpu.dma_semaphore, #tpu.memory_space<semaphore_mem>>
      %dma_start3A = arith.constant 0 : i32
      %dma_start3A_17 = arith.constant 0 : i32
      %dma_start3A_18 = tpu.memref_slice %arg8[%dma_start3A, %dma_start3A_17] : memref<128x16xf32, #tpu.memory_space<vmem>> -> memref<16x16xf32, #tpu.memory_space<vmem>>
      %dma_start3A_19 = arith.constant 0 : i32
      %dma_start3A_20 = arith.constant 0 : i32
      %dma_start3A_21 = tpu.memref_slice %arg9[%dma_start3A_19, %dma_start3A_20] : memref<10112x16xf32, #tpu.memory_space<vmem_shared>> -> memref<10112x16xf32, #tpu.memory_space<vmem_shared>>
      tpu.enqueue_indirect_dma source(%dma_start3A_18 : memref<16x16xf32, #tpu.memory_space<vmem>>) target(%dma_start3A_21 : memref<10112x16xf32, #tpu.memory_space<vmem_shared>>) offsets(%arg7 : memref<16xi32, #tpu.memory_space<vmem>>) semaphore(%run_scoped3A : memref<!tpu.dma_semaphore, #tpu.memory_space<semaphore_mem>>) {add = true}
      %dma_wait3A = arith.constant 0 : i32
      %dma_wait3A_22 = arith.constant 0 : i32
      %dma_wait3A_23 = tpu.memref_slice %arg8[%dma_wait3A, %dma_wait3A_22] : memref<128x16xf32, #tpu.memory_space<vmem>> -> memref<16x16xf32, #tpu.memory_space<vmem>>
      %dma_wait3A_24 = arith.constant 0 : i32
      %dma_wait3A_25 = arith.constant 0 : i32
      %dma_wait3A_26 = tpu.memref_slice %arg9[%dma_wait3A_24, %dma_wait3A_25] : memref<10112x16xf32, #tpu.memory_space<vmem_shared>> -> memref<10112x16xf32, #tpu.memory_space<vmem_shared>>
      tpu.wait_indirect_dma semaphore(%run_scoped3A : memref<!tpu.dma_semaphore, #tpu.memory_space<semaphore_mem>>) src(%dma_wait3A_23 : memref<16x16xf32, #tpu.memory_space<vmem>>) dst(%dma_wait3A_26 : memref<10112x16xf32, #tpu.memory_space<vmem_shared>>)
      tpu.yield
    }) : () -> ()
    %barrier3A_12 = arith.constant 0 : index
    tpu.barrier barrier_id(%barrier3A_12)
    %mul3A_13 = arith.constant 632 : i32
    %mul3A_14 = arith.muli %arg1, %mul3A_13 : i32
    %mul3A_15 = arith.constant 632 : i32
    %mul3A_16 = arith.muli %arg1, %mul3A_15 : i32
    "tpu.region"() ({
      %run_scoped3A = tpu.sem_alloc : memref<!tpu.dma_semaphore, #tpu.memory_space<semaphore_mem>>
      %dma_start3A = arith.constant 0 : i32
      %dma_start3A_17 = tpu.memref_slice %arg5[%arg0, %mul3A_16, %dma_start3A] : memref<2x10112x16xf32, #tpu.memory_space<hbm>> -> memref<1x632x16xf32, #tpu.memory_space<hbm>>
      %dma_start3A_18 = tpu.memref_squeeze %dma_start3A_17 : memref<1x632x16xf32, #tpu.memory_space<hbm>> -> memref<632x16xf32, #tpu.memory_space<hbm>>
      %dma_start3A_19 = arith.constant 0 : i32
      %dma_start3A_20 = tpu.memref_slice %arg9[%mul3A_14, %dma_start3A_19] : memref<10112x16xf32, #tpu.memory_space<vmem_shared>> -> memref<632x16xf32, #tpu.memory_space<vmem_shared>>
      tpu.enqueue_dma source(%dma_start3A_20 : memref<632x16xf32, #tpu.memory_space<vmem_shared>>) target(%dma_start3A_18 : memref<632x16xf32, #tpu.memory_space<hbm>>) target_semaphore(%run_scoped3A : memref<!tpu.dma_semaphore, #tpu.memory_space<semaphore_mem>>)
      %dma_wait3A = arith.constant 0 : i32
      %dma_wait3A_21 = tpu.memref_slice %arg5[%arg0, %mul3A_16, %dma_wait3A] : memref<2x10112x16xf32, #tpu.memory_space<hbm>> -> memref<1x632x16xf32, #tpu.memory_space<hbm>>
      %dma_wait3A_22 = tpu.memref_squeeze %dma_wait3A_21 : memref<1x632x16xf32, #tpu.memory_space<hbm>> -> memref<632x16xf32, #tpu.memory_space<hbm>>
      %dma_wait3A_23 = arith.constant 0 : i32
      %dma_wait3A_24 = tpu.memref_slice %arg9[%mul3A_14, %dma_wait3A_23] : memref<10112x16xf32, #tpu.memory_space<vmem_shared>> -> memref<632x16xf32, #tpu.memory_space<vmem_shared>>
      tpu.wait_dma2 semaphore(%run_scoped3A : memref<!tpu.dma_semaphore, #tpu.memory_space<semaphore_mem>>) src(%dma_wait3A_24 : memref<632x16xf32, #tpu.memory_space<vmem_shared>>) dst(%dma_wait3A_22 : memref<632x16xf32, #tpu.memory_space<hbm>>)
      tpu.yield
    }) : () -> ()
    return
  }
}

#map = affine_map<(d0, d1) -> (0, 0)>
#map1 = affine_map<(d0, d1) -> (0)>
#map2 = affine_map<(d0, d1) -> (0, 0, 0)>
module attributes {stable_mosaic.version = 14 : i64} {
  func.func @_sc_scatter(%arg0: i32, %arg1: i32, %arg2: memref<10000x128xf32, #tpu.memory_space<hbm>>, %arg3: memref<320000xi32, #tpu.memory_space<hbm>>, %arg4: memref<320000xi32, #tpu.memory_space<hbm>>, %arg5: memref<632x128xf32, #tpu.memory_space<hbm>>, %arg6: memref<2x10112x128xf32, #tpu.memory_space<hbm>>, %arg7: memref<128xi32, #tpu.memory_space<vmem>>, %arg8: memref<128xi32, #tpu.memory_space<vmem>>, %arg9: memref<128xi32, #tpu.memory_space<vmem>>, %arg10: memref<128xi32, #tpu.memory_space<vmem>>, %arg11: memref<16xi32, #tpu.memory_space<vmem>>, %arg12: memref<16xi32, #tpu.memory_space<vmem>>, %arg13: memref<128x128xf32, #tpu.memory_space<vmem>>, %arg14: memref<128x128xf32, #tpu.memory_space<vmem>>, %arg15: memref<16x128xf32, #tpu.memory_space<vmem>>, %arg16: memref<10112x128xf32, #tpu.memory_space<vmem_shared>>, %arg17: memref<!tpu.dma_semaphore, #tpu.memory_space<semaphore_mem>>, %arg18: memref<!tpu.dma_semaphore, #tpu.memory_space<semaphore_mem>>, %arg19: memref<!tpu.dma_semaphore, #tpu.memory_space<semaphore_mem>>, %arg20: memref<!tpu.dma_semaphore, #tpu.memory_space<semaphore_mem>>) attributes {dimension_semantics = [#tpu.dimension_semantics<core_parallel>, #tpu.dimension_semantics<subcore_parallel>], iteration_bounds = array<i64: 2, 16>, scalar_prefetch = 0 : i64, scratch_operands = 14 : i64, tpu.core_type = #tpu.core_type<sc_vector_subcore>, window_params = [{transform_indices = #map}, {transform_indices = #map1}, {transform_indices = #map1}, {transform_indices = #map}, {transform_indices = #map2}]} {
    %mul3A = arith.constant 16 : i32
    %mul3A_0 = arith.muli %arg0, %mul3A : i32
    %add3A = arith.addi %mul3A_0, %arg1 : i32
    %mul3A_1 = arith.constant 632 : i32
    %mul3A_2 = arith.muli %arg1, %mul3A_1 : i32
    "tpu.region"() ({
      %run_scoped3A = tpu.sem_alloc : memref<!tpu.dma_semaphore, #tpu.memory_space<semaphore_mem>>
      %dma_start3A_21 = arith.constant 0 : i32
      %dma_start3A_22 = tpu.memref_slice %arg16[%mul3A_2, %dma_start3A_21] : memref<10112x128xf32, #tpu.memory_space<vmem_shared>> -> memref<632x128xf32, #tpu.memory_space<vmem_shared>>
      tpu.enqueue_dma source(%arg5 : memref<632x128xf32, #tpu.memory_space<hbm>>) target(%dma_start3A_22 : memref<632x128xf32, #tpu.memory_space<vmem_shared>>) target_semaphore(%run_scoped3A : memref<!tpu.dma_semaphore, #tpu.memory_space<semaphore_mem>>)
      %dma_wait3A_23 = arith.constant 0 : i32
      %dma_wait3A_24 = tpu.memref_slice %arg16[%mul3A_2, %dma_wait3A_23] : memref<10112x128xf32, #tpu.memory_space<vmem_shared>> -> memref<632x128xf32, #tpu.memory_space<vmem_shared>>
      tpu.wait_dma2 semaphore(%run_scoped3A : memref<!tpu.dma_semaphore, #tpu.memory_space<semaphore_mem>>) src(%arg5 : memref<632x128xf32, #tpu.memory_space<hbm>>) dst(%dma_wait3A_24 : memref<632x128xf32, #tpu.memory_space<vmem_shared>>)
      tpu.yield
    }) : () -> ()
    %barrier3A = arith.constant 0 : index
    tpu.barrier barrier_id(%barrier3A)
    %mul3A_3 = arith.constant 10000 : i32
    %mul3A_4 = arith.muli %add3A, %mul3A_3 : i32
    %scan3A = arith.constant 0 : i32
    %scan3A_5 = arith.constant 0 : i32
    %scan3A_6 = arith.constant 39 : i32
    %scan3A_7 = arith.addi %scan3A_5, %scan3A_6 : i32
    %scan3A_8 = arith.constant 1 : i32
    scf.for %scan3A_21 = %scan3A_5 to %scan3A_7 step %scan3A_8  : i32 {
      %mul3A_22 = arith.constant 2 : i32
      %mul3A_23 = arith.muli %mul3A_22, %scan3A_21 : i32
      %mul3A_24 = arith.constant 128 : i32
      %mul3A_25 = arith.muli %mul3A_23, %mul3A_24 : i32
      %add3A_26 = arith.addi %mul3A_4, %mul3A_25 : i32
      %mul3A_27 = arith.constant 2 : i32
      %mul3A_28 = arith.muli %mul3A_27, %scan3A_21 : i32
      %add3A_29 = arith.constant 1 : i32
      %add3A_30 = arith.addi %mul3A_28, %add3A_29 : i32
      %mul3A_31 = arith.constant 128 : i32
      %mul3A_32 = arith.muli %add3A_30, %mul3A_31 : i32
      %add3A_33 = arith.addi %mul3A_4, %mul3A_32 : i32
      "tpu.region"() ({
        %run_scoped3A = tpu.sem_alloc : memref<!tpu.dma_semaphore, #tpu.memory_space<semaphore_mem>>
        %dma_start3A_46 = tpu.memref_slice %arg3[%add3A_26] : memref<320000xi32, #tpu.memory_space<hbm>> -> memref<128xi32, #tpu.memory_space<hbm>>
        %dma_start3A_47 = tpu.memref_slice %arg3[%add3A_26] : memref<320000xi32, #tpu.memory_space<hbm>> -> memref<128xi32, #tpu.memory_space<hbm>>
        tpu.enqueue_dma source(%dma_start3A_47 : memref<128xi32, #tpu.memory_space<hbm>>) target(%arg7 : memref<128xi32, #tpu.memory_space<vmem>>) target_semaphore(%run_scoped3A : memref<!tpu.dma_semaphore, #tpu.memory_space<semaphore_mem>>)
        %dma_wait3A_48 = tpu.memref_slice %arg3[%add3A_26] : memref<320000xi32, #tpu.memory_space<hbm>> -> memref<128xi32, #tpu.memory_space<hbm>>
        %dma_wait3A_49 = tpu.memref_slice %arg3[%add3A_26] : memref<320000xi32, #tpu.memory_space<hbm>> -> memref<128xi32, #tpu.memory_space<hbm>>
        tpu.wait_dma2 semaphore(%run_scoped3A : memref<!tpu.dma_semaphore, #tpu.memory_space<semaphore_mem>>) src(%dma_wait3A_49 : memref<128xi32, #tpu.memory_space<hbm>>) dst(%arg7 : memref<128xi32, #tpu.memory_space<vmem>>)
        tpu.yield
      }) : () -> ()
      "tpu.region"() ({
        %run_scoped3A = tpu.sem_alloc : memref<!tpu.dma_semaphore, #tpu.memory_space<semaphore_mem>>
        %dma_start3A_46 = tpu.memref_slice %arg3[%add3A_33] : memref<320000xi32, #tpu.memory_space<hbm>> -> memref<128xi32, #tpu.memory_space<hbm>>
        %dma_start3A_47 = tpu.memref_slice %arg3[%add3A_33] : memref<320000xi32, #tpu.memory_space<hbm>> -> memref<128xi32, #tpu.memory_space<hbm>>
        tpu.enqueue_dma source(%dma_start3A_47 : memref<128xi32, #tpu.memory_space<hbm>>) target(%arg9 : memref<128xi32, #tpu.memory_space<vmem>>) target_semaphore(%run_scoped3A : memref<!tpu.dma_semaphore, #tpu.memory_space<semaphore_mem>>)
        %dma_wait3A_48 = tpu.memref_slice %arg3[%add3A_33] : memref<320000xi32, #tpu.memory_space<hbm>> -> memref<128xi32, #tpu.memory_space<hbm>>
        %dma_wait3A_49 = tpu.memref_slice %arg3[%add3A_33] : memref<320000xi32, #tpu.memory_space<hbm>> -> memref<128xi32, #tpu.memory_space<hbm>>
        tpu.wait_dma2 semaphore(%run_scoped3A : memref<!tpu.dma_semaphore, #tpu.memory_space<semaphore_mem>>) src(%dma_wait3A_49 : memref<128xi32, #tpu.memory_space<hbm>>) dst(%arg9 : memref<128xi32, #tpu.memory_space<vmem>>)
        tpu.yield
      }) : () -> ()
      %dma_start3A_34 = arith.constant 0 : i32
      %dma_start3A_35 = arith.constant 0 : i32
      %dma_start3A_36 = tpu.memref_slice %arg2[%dma_start3A_34, %dma_start3A_35] : memref<10000x128xf32, #tpu.memory_space<hbm>> -> memref<10000x128xf32, #tpu.memory_space<hbm>>
      tpu.enqueue_indirect_dma source(%dma_start3A_36 : memref<10000x128xf32, #tpu.memory_space<hbm>>) target(%arg13 : memref<128x128xf32, #tpu.memory_space<vmem>>) offsets(%arg7 : memref<128xi32, #tpu.memory_space<vmem>>) semaphore(%arg17 : memref<!tpu.dma_semaphore, #tpu.memory_space<semaphore_mem>>)
      %dma_start3A_37 = arith.constant 0 : i32
      %dma_start3A_38 = arith.constant 0 : i32
      %dma_start3A_39 = tpu.memref_slice %arg2[%dma_start3A_37, %dma_start3A_38] : memref<10000x128xf32, #tpu.memory_space<hbm>> -> memref<10000x128xf32, #tpu.memory_space<hbm>>
      tpu.enqueue_indirect_dma source(%dma_start3A_39 : memref<10000x128xf32, #tpu.memory_space<hbm>>) target(%arg14 : memref<128x128xf32, #tpu.memory_space<vmem>>) offsets(%arg9 : memref<128xi32, #tpu.memory_space<vmem>>) semaphore(%arg18 : memref<!tpu.dma_semaphore, #tpu.memory_space<semaphore_mem>>)
      "tpu.region"() ({
        %run_scoped3A = tpu.sem_alloc : memref<!tpu.dma_semaphore, #tpu.memory_space<semaphore_mem>>
        %dma_start3A_46 = tpu.memref_slice %arg4[%add3A_26] : memref<320000xi32, #tpu.memory_space<hbm>> -> memref<128xi32, #tpu.memory_space<hbm>>
        %dma_start3A_47 = tpu.memref_slice %arg4[%add3A_26] : memref<320000xi32, #tpu.memory_space<hbm>> -> memref<128xi32, #tpu.memory_space<hbm>>
        tpu.enqueue_dma source(%dma_start3A_47 : memref<128xi32, #tpu.memory_space<hbm>>) target(%arg8 : memref<128xi32, #tpu.memory_space<vmem>>) target_semaphore(%run_scoped3A : memref<!tpu.dma_semaphore, #tpu.memory_space<semaphore_mem>>)
        %dma_wait3A_48 = tpu.memref_slice %arg4[%add3A_26] : memref<320000xi32, #tpu.memory_space<hbm>> -> memref<128xi32, #tpu.memory_space<hbm>>
        %dma_wait3A_49 = tpu.memref_slice %arg4[%add3A_26] : memref<320000xi32, #tpu.memory_space<hbm>> -> memref<128xi32, #tpu.memory_space<hbm>>
        tpu.wait_dma2 semaphore(%run_scoped3A : memref<!tpu.dma_semaphore, #tpu.memory_space<semaphore_mem>>) src(%dma_wait3A_49 : memref<128xi32, #tpu.memory_space<hbm>>) dst(%arg8 : memref<128xi32, #tpu.memory_space<vmem>>)
        tpu.yield
      }) : () -> ()
      "tpu.region"() ({
        %run_scoped3A = tpu.sem_alloc : memref<!tpu.dma_semaphore, #tpu.memory_space<semaphore_mem>>
        %dma_start3A_46 = tpu.memref_slice %arg4[%add3A_33] : memref<320000xi32, #tpu.memory_space<hbm>> -> memref<128xi32, #tpu.memory_space<hbm>>
        %dma_start3A_47 = tpu.memref_slice %arg4[%add3A_33] : memref<320000xi32, #tpu.memory_space<hbm>> -> memref<128xi32, #tpu.memory_space<hbm>>
        tpu.enqueue_dma source(%dma_start3A_47 : memref<128xi32, #tpu.memory_space<hbm>>) target(%arg10 : memref<128xi32, #tpu.memory_space<vmem>>) target_semaphore(%run_scoped3A : memref<!tpu.dma_semaphore, #tpu.memory_space<semaphore_mem>>)
        %dma_wait3A_48 = tpu.memref_slice %arg4[%add3A_33] : memref<320000xi32, #tpu.memory_space<hbm>> -> memref<128xi32, #tpu.memory_space<hbm>>
        %dma_wait3A_49 = tpu.memref_slice %arg4[%add3A_33] : memref<320000xi32, #tpu.memory_space<hbm>> -> memref<128xi32, #tpu.memory_space<hbm>>
        tpu.wait_dma2 semaphore(%run_scoped3A : memref<!tpu.dma_semaphore, #tpu.memory_space<semaphore_mem>>) src(%dma_wait3A_49 : memref<128xi32, #tpu.memory_space<hbm>>) dst(%arg10 : memref<128xi32, #tpu.memory_space<vmem>>)
        tpu.yield
      }) : () -> ()
      %dma_wait3A_40 = arith.constant 0 : i32
      %dma_wait3A_41 = arith.constant 0 : i32
      %dma_wait3A_42 = tpu.memref_slice %arg2[%dma_wait3A_40, %dma_wait3A_41] : memref<10000x128xf32, #tpu.memory_space<hbm>> -> memref<10000x128xf32, #tpu.memory_space<hbm>>
      tpu.wait_indirect_dma semaphore(%arg17 : memref<!tpu.dma_semaphore, #tpu.memory_space<semaphore_mem>>) src(%dma_wait3A_42 : memref<10000x128xf32, #tpu.memory_space<hbm>>) dst(%arg13 : memref<128x128xf32, #tpu.memory_space<vmem>>)
      "tpu.region"() ({
        %run_scoped3A = tpu.sem_alloc : memref<!tpu.dma_semaphore, #tpu.memory_space<semaphore_mem>>
        %dma_start3A_46 = arith.constant 0 : i32
        %dma_start3A_47 = arith.constant 0 : i32
        %dma_start3A_48 = tpu.memref_slice %arg16[%dma_start3A_46, %dma_start3A_47] : memref<10112x128xf32, #tpu.memory_space<vmem_shared>> -> memref<10112x128xf32, #tpu.memory_space<vmem_shared>>
        tpu.enqueue_indirect_dma source(%arg13 : memref<128x128xf32, #tpu.memory_space<vmem>>) target(%dma_start3A_48 : memref<10112x128xf32, #tpu.memory_space<vmem_shared>>) offsets(%arg8 : memref<128xi32, #tpu.memory_space<vmem>>) semaphore(%run_scoped3A : memref<!tpu.dma_semaphore, #tpu.memory_space<semaphore_mem>>) {add = true}
        %dma_wait3A_49 = arith.constant 0 : i32
        %dma_wait3A_50 = arith.constant 0 : i32
        %dma_wait3A_51 = tpu.memref_slice %arg16[%dma_wait3A_49, %dma_wait3A_50] : memref<10112x128xf32, #tpu.memory_space<vmem_shared>> -> memref<10112x128xf32, #tpu.memory_space<vmem_shared>>
        tpu.wait_indirect_dma semaphore(%run_scoped3A : memref<!tpu.dma_semaphore, #tpu.memory_space<semaphore_mem>>) src(%arg13 : memref<128x128xf32, #tpu.memory_space<vmem>>) dst(%dma_wait3A_51 : memref<10112x128xf32, #tpu.memory_space<vmem_shared>>)
        tpu.yield
      }) : () -> ()
      %dma_wait3A_43 = arith.constant 0 : i32
      %dma_wait3A_44 = arith.constant 0 : i32
      %dma_wait3A_45 = tpu.memref_slice %arg2[%dma_wait3A_43, %dma_wait3A_44] : memref<10000x128xf32, #tpu.memory_space<hbm>> -> memref<10000x128xf32, #tpu.memory_space<hbm>>
      tpu.wait_indirect_dma semaphore(%arg18 : memref<!tpu.dma_semaphore, #tpu.memory_space<semaphore_mem>>) src(%dma_wait3A_45 : memref<10000x128xf32, #tpu.memory_space<hbm>>) dst(%arg14 : memref<128x128xf32, #tpu.memory_space<vmem>>)
      "tpu.region"() ({
        %run_scoped3A = tpu.sem_alloc : memref<!tpu.dma_semaphore, #tpu.memory_space<semaphore_mem>>
        %dma_start3A_46 = arith.constant 0 : i32
        %dma_start3A_47 = arith.constant 0 : i32
        %dma_start3A_48 = tpu.memref_slice %arg16[%dma_start3A_46, %dma_start3A_47] : memref<10112x128xf32, #tpu.memory_space<vmem_shared>> -> memref<10112x128xf32, #tpu.memory_space<vmem_shared>>
        tpu.enqueue_indirect_dma source(%arg14 : memref<128x128xf32, #tpu.memory_space<vmem>>) target(%dma_start3A_48 : memref<10112x128xf32, #tpu.memory_space<vmem_shared>>) offsets(%arg10 : memref<128xi32, #tpu.memory_space<vmem>>) semaphore(%run_scoped3A : memref<!tpu.dma_semaphore, #tpu.memory_space<semaphore_mem>>) {add = true}
        %dma_wait3A_49 = arith.constant 0 : i32
        %dma_wait3A_50 = arith.constant 0 : i32
        %dma_wait3A_51 = tpu.memref_slice %arg16[%dma_wait3A_49, %dma_wait3A_50] : memref<10112x128xf32, #tpu.memory_space<vmem_shared>> -> memref<10112x128xf32, #tpu.memory_space<vmem_shared>>
        tpu.wait_indirect_dma semaphore(%run_scoped3A : memref<!tpu.dma_semaphore, #tpu.memory_space<semaphore_mem>>) src(%arg14 : memref<128x128xf32, #tpu.memory_space<vmem>>) dst(%dma_wait3A_51 : memref<10112x128xf32, #tpu.memory_space<vmem_shared>>)
        tpu.yield
      }) : () -> ()
    }
    %scan3A_9 = arith.constant 39 : i32
    %add3A_10 = arith.constant 9984 : i32
    %add3A_11 = arith.addi %mul3A_4, %add3A_10 : i32
    "tpu.region"() ({
      %run_scoped3A = tpu.sem_alloc : memref<!tpu.dma_semaphore, #tpu.memory_space<semaphore_mem>>
      %dma_start3A_21 = tpu.memref_slice %arg3[%add3A_11] : memref<320000xi32, #tpu.memory_space<hbm>> -> memref<16xi32, #tpu.memory_space<hbm>>
      %dma_start3A_22 = tpu.memref_slice %arg3[%add3A_11] : memref<320000xi32, #tpu.memory_space<hbm>> -> memref<16xi32, #tpu.memory_space<hbm>>
      tpu.enqueue_dma source(%dma_start3A_22 : memref<16xi32, #tpu.memory_space<hbm>>) target(%arg11 : memref<16xi32, #tpu.memory_space<vmem>>) target_semaphore(%run_scoped3A : memref<!tpu.dma_semaphore, #tpu.memory_space<semaphore_mem>>)
      %dma_wait3A_23 = tpu.memref_slice %arg3[%add3A_11] : memref<320000xi32, #tpu.memory_space<hbm>> -> memref<16xi32, #tpu.memory_space<hbm>>
      %dma_wait3A_24 = tpu.memref_slice %arg3[%add3A_11] : memref<320000xi32, #tpu.memory_space<hbm>> -> memref<16xi32, #tpu.memory_space<hbm>>
      tpu.wait_dma2 semaphore(%run_scoped3A : memref<!tpu.dma_semaphore, #tpu.memory_space<semaphore_mem>>) src(%dma_wait3A_24 : memref<16xi32, #tpu.memory_space<hbm>>) dst(%arg11 : memref<16xi32, #tpu.memory_space<vmem>>)
      tpu.yield
    }) : () -> ()
    "tpu.region"() ({
      %run_scoped3A = tpu.sem_alloc : memref<!tpu.dma_semaphore, #tpu.memory_space<semaphore_mem>>
      %dma_start3A_21 = tpu.memref_slice %arg4[%add3A_11] : memref<320000xi32, #tpu.memory_space<hbm>> -> memref<16xi32, #tpu.memory_space<hbm>>
      %dma_start3A_22 = tpu.memref_slice %arg4[%add3A_11] : memref<320000xi32, #tpu.memory_space<hbm>> -> memref<16xi32, #tpu.memory_space<hbm>>
      tpu.enqueue_dma source(%dma_start3A_22 : memref<16xi32, #tpu.memory_space<hbm>>) target(%arg12 : memref<16xi32, #tpu.memory_space<vmem>>) target_semaphore(%run_scoped3A : memref<!tpu.dma_semaphore, #tpu.memory_space<semaphore_mem>>)
      %dma_wait3A_23 = tpu.memref_slice %arg4[%add3A_11] : memref<320000xi32, #tpu.memory_space<hbm>> -> memref<16xi32, #tpu.memory_space<hbm>>
      %dma_wait3A_24 = tpu.memref_slice %arg4[%add3A_11] : memref<320000xi32, #tpu.memory_space<hbm>> -> memref<16xi32, #tpu.memory_space<hbm>>
      tpu.wait_dma2 semaphore(%run_scoped3A : memref<!tpu.dma_semaphore, #tpu.memory_space<semaphore_mem>>) src(%dma_wait3A_24 : memref<16xi32, #tpu.memory_space<hbm>>) dst(%arg12 : memref<16xi32, #tpu.memory_space<vmem>>)
      tpu.yield
    }) : () -> ()
    %dma_start3A = arith.constant 0 : i32
    %dma_start3A_12 = arith.constant 0 : i32
    %dma_start3A_13 = tpu.memref_slice %arg2[%dma_start3A, %dma_start3A_12] : memref<10000x128xf32, #tpu.memory_space<hbm>> -> memref<10000x128xf32, #tpu.memory_space<hbm>>
    tpu.enqueue_indirect_dma source(%dma_start3A_13 : memref<10000x128xf32, #tpu.memory_space<hbm>>) target(%arg15 : memref<16x128xf32, #tpu.memory_space<vmem>>) offsets(%arg11 : memref<16xi32, #tpu.memory_space<vmem>>) semaphore(%arg17 : memref<!tpu.dma_semaphore, #tpu.memory_space<semaphore_mem>>)
    %dma_wait3A = arith.constant 0 : i32
    %dma_wait3A_14 = arith.constant 0 : i32
    %dma_wait3A_15 = tpu.memref_slice %arg2[%dma_wait3A, %dma_wait3A_14] : memref<10000x128xf32, #tpu.memory_space<hbm>> -> memref<10000x128xf32, #tpu.memory_space<hbm>>
    tpu.wait_indirect_dma semaphore(%arg17 : memref<!tpu.dma_semaphore, #tpu.memory_space<semaphore_mem>>) src(%dma_wait3A_15 : memref<10000x128xf32, #tpu.memory_space<hbm>>) dst(%arg15 : memref<16x128xf32, #tpu.memory_space<vmem>>)
    "tpu.region"() ({
      %run_scoped3A = tpu.sem_alloc : memref<!tpu.dma_semaphore, #tpu.memory_space<semaphore_mem>>
      %dma_start3A_21 = arith.constant 0 : i32
      %dma_start3A_22 = arith.constant 0 : i32
      %dma_start3A_23 = tpu.memref_slice %arg16[%dma_start3A_21, %dma_start3A_22] : memref<10112x128xf32, #tpu.memory_space<vmem_shared>> -> memref<10112x128xf32, #tpu.memory_space<vmem_shared>>
      tpu.enqueue_indirect_dma source(%arg15 : memref<16x128xf32, #tpu.memory_space<vmem>>) target(%dma_start3A_23 : memref<10112x128xf32, #tpu.memory_space<vmem_shared>>) offsets(%arg12 : memref<16xi32, #tpu.memory_space<vmem>>) semaphore(%run_scoped3A : memref<!tpu.dma_semaphore, #tpu.memory_space<semaphore_mem>>) {add = true}
      %dma_wait3A_24 = arith.constant 0 : i32
      %dma_wait3A_25 = arith.constant 0 : i32
      %dma_wait3A_26 = tpu.memref_slice %arg16[%dma_wait3A_24, %dma_wait3A_25] : memref<10112x128xf32, #tpu.memory_space<vmem_shared>> -> memref<10112x128xf32, #tpu.memory_space<vmem_shared>>
      tpu.wait_indirect_dma semaphore(%run_scoped3A : memref<!tpu.dma_semaphore, #tpu.memory_space<semaphore_mem>>) src(%arg15 : memref<16x128xf32, #tpu.memory_space<vmem>>) dst(%dma_wait3A_26 : memref<10112x128xf32, #tpu.memory_space<vmem_shared>>)
      tpu.yield
    }) : () -> ()
    %barrier3A_16 = arith.constant 0 : index
    tpu.barrier barrier_id(%barrier3A_16)
    %mul3A_17 = arith.constant 632 : i32
    %mul3A_18 = arith.muli %arg1, %mul3A_17 : i32
    %mul3A_19 = arith.constant 632 : i32
    %mul3A_20 = arith.muli %arg1, %mul3A_19 : i32
    "tpu.region"() ({
      %run_scoped3A = tpu.sem_alloc : memref<!tpu.dma_semaphore, #tpu.memory_space<semaphore_mem>>
      %dma_start3A_21 = arith.constant 0 : i32
      %dma_start3A_22 = tpu.memref_slice %arg6[%arg0, %mul3A_20, %dma_start3A_21] : memref<2x10112x128xf32, #tpu.memory_space<hbm>> -> memref<1x632x128xf32, #tpu.memory_space<hbm>>
      %dma_start3A_23 = tpu.memref_squeeze %dma_start3A_22 : memref<1x632x128xf32, #tpu.memory_space<hbm>> -> memref<632x128xf32, #tpu.memory_space<hbm>>
      %dma_start3A_24 = arith.constant 0 : i32
      %dma_start3A_25 = tpu.memref_slice %arg16[%mul3A_18, %dma_start3A_24] : memref<10112x128xf32, #tpu.memory_space<vmem_shared>> -> memref<632x128xf32, #tpu.memory_space<vmem_shared>>
      tpu.enqueue_dma source(%dma_start3A_25 : memref<632x128xf32, #tpu.memory_space<vmem_shared>>) target(%dma_start3A_23 : memref<632x128xf32, #tpu.memory_space<hbm>>) target_semaphore(%run_scoped3A : memref<!tpu.dma_semaphore, #tpu.memory_space<semaphore_mem>>)
      %dma_wait3A_26 = arith.constant 0 : i32
      %dma_wait3A_27 = tpu.memref_slice %arg6[%arg0, %mul3A_20, %dma_wait3A_26] : memref<2x10112x128xf32, #tpu.memory_space<hbm>> -> memref<1x632x128xf32, #tpu.memory_space<hbm>>
      %dma_wait3A_28 = tpu.memref_squeeze %dma_wait3A_27 : memref<1x632x128xf32, #tpu.memory_space<hbm>> -> memref<632x128xf32, #tpu.memory_space<hbm>>
      %dma_wait3A_29 = arith.constant 0 : i32
      %dma_wait3A_30 = tpu.memref_slice %arg16[%mul3A_18, %dma_wait3A_29] : memref<10112x128xf32, #tpu.memory_space<vmem_shared>> -> memref<632x128xf32, #tpu.memory_space<vmem_shared>>
      tpu.wait_dma2 semaphore(%run_scoped3A : memref<!tpu.dma_semaphore, #tpu.memory_space<semaphore_mem>>) src(%dma_wait3A_30 : memref<632x128xf32, #tpu.memory_space<vmem_shared>>) dst(%dma_wait3A_28 : memref<632x128xf32, #tpu.memory_space<hbm>>)
      tpu.yield
    }) : () -> ()
    return
  }
}

#map = affine_map<(d0, d1) -> (0, 0)>
#map1 = affine_map<(d0, d1) -> (0)>
#map2 = affine_map<(d0, d1) -> (0, 0, 0)>
module attributes {stable_mosaic.version = 14 : i64} {
  func.func @_sc_scatter(%arg0: i32, %arg1: i32, %arg2: memref<10000x128xf32, #tpu.memory_space<hbm>>, %arg3: memref<320000xi32, #tpu.memory_space<hbm>>, %arg4: memref<320000xi32, #tpu.memory_space<hbm>>, %arg5: memref<632x128xf32, #tpu.memory_space<hbm>>, %arg6: memref<2x10112x128xf32, #tpu.memory_space<hbm>>, %arg7: memref<128xi32, #tpu.memory_space<vmem>>, %arg8: memref<128xi32, #tpu.memory_space<vmem>>, %arg9: memref<128xi32, #tpu.memory_space<vmem>>, %arg10: memref<128xi32, #tpu.memory_space<vmem>>, %arg11: memref<16xi32, #tpu.memory_space<vmem>>, %arg12: memref<16xi32, #tpu.memory_space<vmem>>, %arg13: memref<128x128xf32, #tpu.memory_space<vmem>>, %arg14: memref<128x128xf32, #tpu.memory_space<vmem>>, %arg15: memref<16x128xf32, #tpu.memory_space<vmem>>, %arg16: memref<10112x128xf32, #tpu.memory_space<vmem_shared>>, %arg17: memref<!tpu.dma_semaphore, #tpu.memory_space<semaphore_mem>>, %arg18: memref<!tpu.dma_semaphore, #tpu.memory_space<semaphore_mem>>, %arg19: memref<!tpu.dma_semaphore, #tpu.memory_space<semaphore_mem>>, %arg20: memref<!tpu.dma_semaphore, #tpu.memory_space<semaphore_mem>>) attributes {dimension_semantics = [#tpu.dimension_semantics<core_parallel>, #tpu.dimension_semantics<subcore_parallel>], iteration_bounds = array<i64: 2, 16>, scalar_prefetch = 0 : i64, scratch_operands = 14 : i64, tpu.core_type = #tpu.core_type<sc_vector_subcore>, window_params = [{transform_indices = #map}, {transform_indices = #map1}, {transform_indices = #map1}, {transform_indices = #map}, {transform_indices = #map2}]} {
    %mul3A = arith.constant 16 : i32
    %mul3A_0 = arith.muli %arg0, %mul3A : i32
    %add3A = arith.addi %mul3A_0, %arg1 : i32
    %mul3A_1 = arith.constant 632 : i32
    %mul3A_2 = arith.muli %arg1, %mul3A_1 : i32
    "tpu.region"() ({
      %run_scoped3A = tpu.sem_alloc : memref<!tpu.dma_semaphore, #tpu.memory_space<semaphore_mem>>
      %dma_start3A_21 = arith.constant 0 : i32
      %dma_start3A_22 = tpu.memref_slice %arg16[%mul3A_2, %dma_start3A_21] : memref<10112x128xf32, #tpu.memory_space<vmem_shared>> -> memref<632x128xf32, #tpu.memory_space<vmem_shared>>
      tpu.enqueue_dma source(%arg5 : memref<632x128xf32, #tpu.memory_space<hbm>>) target(%dma_start3A_22 : memref<632x128xf32, #tpu.memory_space<vmem_shared>>) target_semaphore(%run_scoped3A : memref<!tpu.dma_semaphore, #tpu.memory_space<semaphore_mem>>)
      %dma_wait3A_23 = arith.constant 0 : i32
      %dma_wait3A_24 = tpu.memref_slice %arg16[%mul3A_2, %dma_wait3A_23] : memref<10112x128xf32, #tpu.memory_space<vmem_shared>> -> memref<632x128xf32, #tpu.memory_space<vmem_shared>>
      tpu.wait_dma2 semaphore(%run_scoped3A : memref<!tpu.dma_semaphore, #tpu.memory_space<semaphore_mem>>) src(%arg5 : memref<632x128xf32, #tpu.memory_space<hbm>>) dst(%dma_wait3A_24 : memref<632x128xf32, #tpu.memory_space<vmem_shared>>)
      tpu.yield
    }) : () -> ()
    %barrier3A = arith.constant 0 : index
    tpu.barrier barrier_id(%barrier3A)
    %mul3A_3 = arith.constant 10000 : i32
    %mul3A_4 = arith.muli %add3A, %mul3A_3 : i32
    %scan3A = arith.constant 0 : i32
    %scan3A_5 = arith.constant 0 : i32
    %scan3A_6 = arith.constant 39 : i32
    %scan3A_7 = arith.addi %scan3A_5, %scan3A_6 : i32
    %scan3A_8 = arith.constant 1 : i32
    scf.for %scan3A_21 = %scan3A_5 to %scan3A_7 step %scan3A_8  : i32 {
      %mul3A_22 = arith.constant 2 : i32
      %mul3A_23 = arith.muli %mul3A_22, %scan3A_21 : i32
      %mul3A_24 = arith.constant 128 : i32
      %mul3A_25 = arith.muli %mul3A_23, %mul3A_24 : i32
      %add3A_26 = arith.addi %mul3A_4, %mul3A_25 : i32
      %mul3A_27 = arith.constant 2 : i32
      %mul3A_28 = arith.muli %mul3A_27, %scan3A_21 : i32
      %add3A_29 = arith.constant 1 : i32
      %add3A_30 = arith.addi %mul3A_28, %add3A_29 : i32
      %mul3A_31 = arith.constant 128 : i32
      %mul3A_32 = arith.muli %add3A_30, %mul3A_31 : i32
      %add3A_33 = arith.addi %mul3A_4, %mul3A_32 : i32
      "tpu.region"() ({
        %run_scoped3A = tpu.sem_alloc : memref<!tpu.dma_semaphore, #tpu.memory_space<semaphore_mem>>
        %dma_start3A_46 = tpu.memref_slice %arg3[%add3A_26] : memref<320000xi32, #tpu.memory_space<hbm>> -> memref<128xi32, #tpu.memory_space<hbm>>
        %dma_start3A_47 = tpu.memref_slice %arg3[%add3A_26] : memref<320000xi32, #tpu.memory_space<hbm>> -> memref<128xi32, #tpu.memory_space<hbm>>
        tpu.enqueue_dma source(%dma_start3A_47 : memref<128xi32, #tpu.memory_space<hbm>>) target(%arg7 : memref<128xi32, #tpu.memory_space<vmem>>) target_semaphore(%run_scoped3A : memref<!tpu.dma_semaphore, #tpu.memory_space<semaphore_mem>>)
        %dma_wait3A_48 = tpu.memref_slice %arg3[%add3A_26] : memref<320000xi32, #tpu.memory_space<hbm>> -> memref<128xi32, #tpu.memory_space<hbm>>
        %dma_wait3A_49 = tpu.memref_slice %arg3[%add3A_26] : memref<320000xi32, #tpu.memory_space<hbm>> -> memref<128xi32, #tpu.memory_space<hbm>>
        tpu.wait_dma2 semaphore(%run_scoped3A : memref<!tpu.dma_semaphore, #tpu.memory_space<semaphore_mem>>) src(%dma_wait3A_49 : memref<128xi32, #tpu.memory_space<hbm>>) dst(%arg7 : memref<128xi32, #tpu.memory_space<vmem>>)
        tpu.yield
      }) : () -> ()
      "tpu.region"() ({
        %run_scoped3A = tpu.sem_alloc : memref<!tpu.dma_semaphore, #tpu.memory_space<semaphore_mem>>
        %dma_start3A_46 = tpu.memref_slice %arg3[%add3A_33] : memref<320000xi32, #tpu.memory_space<hbm>> -> memref<128xi32, #tpu.memory_space<hbm>>
        %dma_start3A_47 = tpu.memref_slice %arg3[%add3A_33] : memref<320000xi32, #tpu.memory_space<hbm>> -> memref<128xi32, #tpu.memory_space<hbm>>
        tpu.enqueue_dma source(%dma_start3A_47 : memref<128xi32, #tpu.memory_space<hbm>>) target(%arg9 : memref<128xi32, #tpu.memory_space<vmem>>) target_semaphore(%run_scoped3A : memref<!tpu.dma_semaphore, #tpu.memory_space<semaphore_mem>>)
        %dma_wait3A_48 = tpu.memref_slice %arg3[%add3A_33] : memref<320000xi32, #tpu.memory_space<hbm>> -> memref<128xi32, #tpu.memory_space<hbm>>
        %dma_wait3A_49 = tpu.memref_slice %arg3[%add3A_33] : memref<320000xi32, #tpu.memory_space<hbm>> -> memref<128xi32, #tpu.memory_space<hbm>>
        tpu.wait_dma2 semaphore(%run_scoped3A : memref<!tpu.dma_semaphore, #tpu.memory_space<semaphore_mem>>) src(%dma_wait3A_49 : memref<128xi32, #tpu.memory_space<hbm>>) dst(%arg9 : memref<128xi32, #tpu.memory_space<vmem>>)
        tpu.yield
      }) : () -> ()
      %dma_start3A_34 = arith.constant 0 : i32
      %dma_start3A_35 = arith.constant 0 : i32
      %dma_start3A_36 = tpu.memref_slice %arg2[%dma_start3A_34, %dma_start3A_35] : memref<10000x128xf32, #tpu.memory_space<hbm>> -> memref<10000x128xf32, #tpu.memory_space<hbm>>
      tpu.enqueue_indirect_dma source(%dma_start3A_36 : memref<10000x128xf32, #tpu.memory_space<hbm>>) target(%arg13 : memref<128x128xf32, #tpu.memory_space<vmem>>) offsets(%arg7 : memref<128xi32, #tpu.memory_space<vmem>>) semaphore(%arg17 : memref<!tpu.dma_semaphore, #tpu.memory_space<semaphore_mem>>)
      %dma_start3A_37 = arith.constant 0 : i32
      %dma_start3A_38 = arith.constant 0 : i32
      %dma_start3A_39 = tpu.memref_slice %arg2[%dma_start3A_37, %dma_start3A_38] : memref<10000x128xf32, #tpu.memory_space<hbm>> -> memref<10000x128xf32, #tpu.memory_space<hbm>>
      tpu.enqueue_indirect_dma source(%dma_start3A_39 : memref<10000x128xf32, #tpu.memory_space<hbm>>) target(%arg14 : memref<128x128xf32, #tpu.memory_space<vmem>>) offsets(%arg9 : memref<128xi32, #tpu.memory_space<vmem>>) semaphore(%arg18 : memref<!tpu.dma_semaphore, #tpu.memory_space<semaphore_mem>>)
      "tpu.region"() ({
        %run_scoped3A = tpu.sem_alloc : memref<!tpu.dma_semaphore, #tpu.memory_space<semaphore_mem>>
        %dma_start3A_46 = tpu.memref_slice %arg4[%add3A_26] : memref<320000xi32, #tpu.memory_space<hbm>> -> memref<128xi32, #tpu.memory_space<hbm>>
        %dma_start3A_47 = tpu.memref_slice %arg4[%add3A_26] : memref<320000xi32, #tpu.memory_space<hbm>> -> memref<128xi32, #tpu.memory_space<hbm>>
        tpu.enqueue_dma source(%dma_start3A_47 : memref<128xi32, #tpu.memory_space<hbm>>) target(%arg8 : memref<128xi32, #tpu.memory_space<vmem>>) target_semaphore(%run_scoped3A : memref<!tpu.dma_semaphore, #tpu.memory_space<semaphore_mem>>)
        %dma_wait3A_48 = tpu.memref_slice %arg4[%add3A_26] : memref<320000xi32, #tpu.memory_space<hbm>> -> memref<128xi32, #tpu.memory_space<hbm>>
        %dma_wait3A_49 = tpu.memref_slice %arg4[%add3A_26] : memref<320000xi32, #tpu.memory_space<hbm>> -> memref<128xi32, #tpu.memory_space<hbm>>
        tpu.wait_dma2 semaphore(%run_scoped3A : memref<!tpu.dma_semaphore, #tpu.memory_space<semaphore_mem>>) src(%dma_wait3A_49 : memref<128xi32, #tpu.memory_space<hbm>>) dst(%arg8 : memref<128xi32, #tpu.memory_space<vmem>>)
        tpu.yield
      }) : () -> ()
      "tpu.region"() ({
        %run_scoped3A = tpu.sem_alloc : memref<!tpu.dma_semaphore, #tpu.memory_space<semaphore_mem>>
        %dma_start3A_46 = tpu.memref_slice %arg4[%add3A_33] : memref<320000xi32, #tpu.memory_space<hbm>> -> memref<128xi32, #tpu.memory_space<hbm>>
        %dma_start3A_47 = tpu.memref_slice %arg4[%add3A_33] : memref<320000xi32, #tpu.memory_space<hbm>> -> memref<128xi32, #tpu.memory_space<hbm>>
        tpu.enqueue_dma source(%dma_start3A_47 : memref<128xi32, #tpu.memory_space<hbm>>) target(%arg10 : memref<128xi32, #tpu.memory_space<vmem>>) target_semaphore(%run_scoped3A : memref<!tpu.dma_semaphore, #tpu.memory_space<semaphore_mem>>)
        %dma_wait3A_48 = tpu.memref_slice %arg4[%add3A_33] : memref<320000xi32, #tpu.memory_space<hbm>> -> memref<128xi32, #tpu.memory_space<hbm>>
        %dma_wait3A_49 = tpu.memref_slice %arg4[%add3A_33] : memref<320000xi32, #tpu.memory_space<hbm>> -> memref<128xi32, #tpu.memory_space<hbm>>
        tpu.wait_dma2 semaphore(%run_scoped3A : memref<!tpu.dma_semaphore, #tpu.memory_space<semaphore_mem>>) src(%dma_wait3A_49 : memref<128xi32, #tpu.memory_space<hbm>>) dst(%arg10 : memref<128xi32, #tpu.memory_space<vmem>>)
        tpu.yield
      }) : () -> ()
      %dma_wait3A_40 = arith.constant 0 : i32
      %dma_wait3A_41 = arith.constant 0 : i32
      %dma_wait3A_42 = tpu.memref_slice %arg2[%dma_wait3A_40, %dma_wait3A_41] : memref<10000x128xf32, #tpu.memory_space<hbm>> -> memref<10000x128xf32, #tpu.memory_space<hbm>>
      tpu.wait_indirect_dma semaphore(%arg17 : memref<!tpu.dma_semaphore, #tpu.memory_space<semaphore_mem>>) src(%dma_wait3A_42 : memref<10000x128xf32, #tpu.memory_space<hbm>>) dst(%arg13 : memref<128x128xf32, #tpu.memory_space<vmem>>)
      "tpu.region"() ({
        %run_scoped3A = tpu.sem_alloc : memref<!tpu.dma_semaphore, #tpu.memory_space<semaphore_mem>>
        %dma_start3A_46 = arith.constant 0 : i32
        %dma_start3A_47 = arith.constant 0 : i32
        %dma_start3A_48 = tpu.memref_slice %arg16[%dma_start3A_46, %dma_start3A_47] : memref<10112x128xf32, #tpu.memory_space<vmem_shared>> -> memref<10112x128xf32, #tpu.memory_space<vmem_shared>>
        tpu.enqueue_indirect_dma source(%arg13 : memref<128x128xf32, #tpu.memory_space<vmem>>) target(%dma_start3A_48 : memref<10112x128xf32, #tpu.memory_space<vmem_shared>>) offsets(%arg8 : memref<128xi32, #tpu.memory_space<vmem>>) semaphore(%run_scoped3A : memref<!tpu.dma_semaphore, #tpu.memory_space<semaphore_mem>>) {add = true}
        %dma_wait3A_49 = arith.constant 0 : i32
        %dma_wait3A_50 = arith.constant 0 : i32
        %dma_wait3A_51 = tpu.memref_slice %arg16[%dma_wait3A_49, %dma_wait3A_50] : memref<10112x128xf32, #tpu.memory_space<vmem_shared>> -> memref<10112x128xf32, #tpu.memory_space<vmem_shared>>
        tpu.wait_indirect_dma semaphore(%run_scoped3A : memref<!tpu.dma_semaphore, #tpu.memory_space<semaphore_mem>>) src(%arg13 : memref<128x128xf32, #tpu.memory_space<vmem>>) dst(%dma_wait3A_51 : memref<10112x128xf32, #tpu.memory_space<vmem_shared>>)
        tpu.yield
      }) : () -> ()
      %dma_wait3A_43 = arith.constant 0 : i32
      %dma_wait3A_44 = arith.constant 0 : i32
      %dma_wait3A_45 = tpu.memref_slice %arg2[%dma_wait3A_43, %dma_wait3A_44] : memref<10000x128xf32, #tpu.memory_space<hbm>> -> memref<10000x128xf32, #tpu.memory_space<hbm>>
      tpu.wait_indirect_dma semaphore(%arg18 : memref<!tpu.dma_semaphore, #tpu.memory_space<semaphore_mem>>) src(%dma_wait3A_45 : memref<10000x128xf32, #tpu.memory_space<hbm>>) dst(%arg14 : memref<128x128xf32, #tpu.memory_space<vmem>>)
      "tpu.region"() ({
        %run_scoped3A = tpu.sem_alloc : memref<!tpu.dma_semaphore, #tpu.memory_space<semaphore_mem>>
        %dma_start3A_46 = arith.constant 0 : i32
        %dma_start3A_47 = arith.constant 0 : i32
        %dma_start3A_48 = tpu.memref_slice %arg16[%dma_start3A_46, %dma_start3A_47] : memref<10112x128xf32, #tpu.memory_space<vmem_shared>> -> memref<10112x128xf32, #tpu.memory_space<vmem_shared>>
        tpu.enqueue_indirect_dma source(%arg14 : memref<128x128xf32, #tpu.memory_space<vmem>>) target(%dma_start3A_48 : memref<10112x128xf32, #tpu.memory_space<vmem_shared>>) offsets(%arg10 : memref<128xi32, #tpu.memory_space<vmem>>) semaphore(%run_scoped3A : memref<!tpu.dma_semaphore, #tpu.memory_space<semaphore_mem>>) {add = true}
        %dma_wait3A_49 = arith.constant 0 : i32
        %dma_wait3A_50 = arith.constant 0 : i32
        %dma_wait3A_51 = tpu.memref_slice %arg16[%dma_wait3A_49, %dma_wait3A_50] : memref<10112x128xf32, #tpu.memory_space<vmem_shared>> -> memref<10112x128xf32, #tpu.memory_space<vmem_shared>>
        tpu.wait_indirect_dma semaphore(%run_scoped3A : memref<!tpu.dma_semaphore, #tpu.memory_space<semaphore_mem>>) src(%arg14 : memref<128x128xf32, #tpu.memory_space<vmem>>) dst(%dma_wait3A_51 : memref<10112x128xf32, #tpu.memory_space<vmem_shared>>)
        tpu.yield
      }) : () -> ()
    }
    %scan3A_9 = arith.constant 39 : i32
    %add3A_10 = arith.constant 9984 : i32
    %add3A_11 = arith.addi %mul3A_4, %add3A_10 : i32
    "tpu.region"() ({
      %run_scoped3A = tpu.sem_alloc : memref<!tpu.dma_semaphore, #tpu.memory_space<semaphore_mem>>
      %dma_start3A_21 = tpu.memref_slice %arg3[%add3A_11] : memref<320000xi32, #tpu.memory_space<hbm>> -> memref<16xi32, #tpu.memory_space<hbm>>
      %dma_start3A_22 = tpu.memref_slice %arg3[%add3A_11] : memref<320000xi32, #tpu.memory_space<hbm>> -> memref<16xi32, #tpu.memory_space<hbm>>
      tpu.enqueue_dma source(%dma_start3A_22 : memref<16xi32, #tpu.memory_space<hbm>>) target(%arg11 : memref<16xi32, #tpu.memory_space<vmem>>) target_semaphore(%run_scoped3A : memref<!tpu.dma_semaphore, #tpu.memory_space<semaphore_mem>>)
      %dma_wait3A_23 = tpu.memref_slice %arg3[%add3A_11] : memref<320000xi32, #tpu.memory_space<hbm>> -> memref<16xi32, #tpu.memory_space<hbm>>
      %dma_wait3A_24 = tpu.memref_slice %arg3[%add3A_11] : memref<320000xi32, #tpu.memory_space<hbm>> -> memref<16xi32, #tpu.memory_space<hbm>>
      tpu.wait_dma2 semaphore(%run_scoped3A : memref<!tpu.dma_semaphore, #tpu.memory_space<semaphore_mem>>) src(%dma_wait3A_24 : memref<16xi32, #tpu.memory_space<hbm>>) dst(%arg11 : memref<16xi32, #tpu.memory_space<vmem>>)
      tpu.yield
    }) : () -> ()
    "tpu.region"() ({
      %run_scoped3A = tpu.sem_alloc : memref<!tpu.dma_semaphore, #tpu.memory_space<semaphore_mem>>
      %dma_start3A_21 = tpu.memref_slice %arg4[%add3A_11] : memref<320000xi32, #tpu.memory_space<hbm>> -> memref<16xi32, #tpu.memory_space<hbm>>
      %dma_start3A_22 = tpu.memref_slice %arg4[%add3A_11] : memref<320000xi32, #tpu.memory_space<hbm>> -> memref<16xi32, #tpu.memory_space<hbm>>
      tpu.enqueue_dma source(%dma_start3A_22 : memref<16xi32, #tpu.memory_space<hbm>>) target(%arg12 : memref<16xi32, #tpu.memory_space<vmem>>) target_semaphore(%run_scoped3A : memref<!tpu.dma_semaphore, #tpu.memory_space<semaphore_mem>>)
      %dma_wait3A_23 = tpu.memref_slice %arg4[%add3A_11] : memref<320000xi32, #tpu.memory_space<hbm>> -> memref<16xi32, #tpu.memory_space<hbm>>
      %dma_wait3A_24 = tpu.memref_slice %arg4[%add3A_11] : memref<320000xi32, #tpu.memory_space<hbm>> -> memref<16xi32, #tpu.memory_space<hbm>>
      tpu.wait_dma2 semaphore(%run_scoped3A : memref<!tpu.dma_semaphore, #tpu.memory_space<semaphore_mem>>) src(%dma_wait3A_24 : memref<16xi32, #tpu.memory_space<hbm>>) dst(%arg12 : memref<16xi32, #tpu.memory_space<vmem>>)
      tpu.yield
    }) : () -> ()
    %dma_start3A = arith.constant 0 : i32
    %dma_start3A_12 = arith.constant 0 : i32
    %dma_start3A_13 = tpu.memref_slice %arg2[%dma_start3A, %dma_start3A_12] : memref<10000x128xf32, #tpu.memory_space<hbm>> -> memref<10000x128xf32, #tpu.memory_space<hbm>>
    tpu.enqueue_indirect_dma source(%dma_start3A_13 : memref<10000x128xf32, #tpu.memory_space<hbm>>) target(%arg15 : memref<16x128xf32, #tpu.memory_space<vmem>>) offsets(%arg11 : memref<16xi32, #tpu.memory_space<vmem>>) semaphore(%arg17 : memref<!tpu.dma_semaphore, #tpu.memory_space<semaphore_mem>>)
    %dma_wait3A = arith.constant 0 : i32
    %dma_wait3A_14 = arith.constant 0 : i32
    %dma_wait3A_15 = tpu.memref_slice %arg2[%dma_wait3A, %dma_wait3A_14] : memref<10000x128xf32, #tpu.memory_space<hbm>> -> memref<10000x128xf32, #tpu.memory_space<hbm>>
    tpu.wait_indirect_dma semaphore(%arg17 : memref<!tpu.dma_semaphore, #tpu.memory_space<semaphore_mem>>) src(%dma_wait3A_15 : memref<10000x128xf32, #tpu.memory_space<hbm>>) dst(%arg15 : memref<16x128xf32, #tpu.memory_space<vmem>>)
    "tpu.region"() ({
      %run_scoped3A = tpu.sem_alloc : memref<!tpu.dma_semaphore, #tpu.memory_space<semaphore_mem>>
      %dma_start3A_21 = arith.constant 0 : i32
      %dma_start3A_22 = arith.constant 0 : i32
      %dma_start3A_23 = tpu.memref_slice %arg16[%dma_start3A_21, %dma_start3A_22] : memref<10112x128xf32, #tpu.memory_space<vmem_shared>> -> memref<10112x128xf32, #tpu.memory_space<vmem_shared>>
      tpu.enqueue_indirect_dma source(%arg15 : memref<16x128xf32, #tpu.memory_space<vmem>>) target(%dma_start3A_23 : memref<10112x128xf32, #tpu.memory_space<vmem_shared>>) offsets(%arg12 : memref<16xi32, #tpu.memory_space<vmem>>) semaphore(%run_scoped3A : memref<!tpu.dma_semaphore, #tpu.memory_space<semaphore_mem>>) {add = true}
      %dma_wait3A_24 = arith.constant 0 : i32
      %dma_wait3A_25 = arith.constant 0 : i32
      %dma_wait3A_26 = tpu.memref_slice %arg16[%dma_wait3A_24, %dma_wait3A_25] : memref<10112x128xf32, #tpu.memory_space<vmem_shared>> -> memref<10112x128xf32, #tpu.memory_space<vmem_shared>>
      tpu.wait_indirect_dma semaphore(%run_scoped3A : memref<!tpu.dma_semaphore, #tpu.memory_space<semaphore_mem>>) src(%arg15 : memref<16x128xf32, #tpu.memory_space<vmem>>) dst(%dma_wait3A_26 : memref<10112x128xf32, #tpu.memory_space<vmem_shared>>)
      tpu.yield
    }) : () -> ()
    %barrier3A_16 = arith.constant 0 : index
    tpu.barrier barrier_id(%barrier3A_16)
    %mul3A_17 = arith.constant 632 : i32
    %mul3A_18 = arith.muli %arg1, %mul3A_17 : i32
    %mul3A_19 = arith.constant 632 : i32
    %mul3A_20 = arith.muli %arg1, %mul3A_19 : i32
    "tpu.region"() ({
      %run_scoped3A = tpu.sem_alloc : memref<!tpu.dma_semaphore, #tpu.memory_space<semaphore_mem>>
      %dma_start3A_21 = arith.constant 0 : i32
      %dma_start3A_22 = tpu.memref_slice %arg6[%arg0, %mul3A_20, %dma_start3A_21] : memref<2x10112x128xf32, #tpu.memory_space<hbm>> -> memref<1x632x128xf32, #tpu.memory_space<hbm>>
      %dma_start3A_23 = tpu.memref_squeeze %dma_start3A_22 : memref<1x632x128xf32, #tpu.memory_space<hbm>> -> memref<632x128xf32, #tpu.memory_space<hbm>>
      %dma_start3A_24 = arith.constant 0 : i32
      %dma_start3A_25 = tpu.memref_slice %arg16[%mul3A_18, %dma_start3A_24] : memref<10112x128xf32, #tpu.memory_space<vmem_shared>> -> memref<632x128xf32, #tpu.memory_space<vmem_shared>>
      tpu.enqueue_dma source(%dma_start3A_25 : memref<632x128xf32, #tpu.memory_space<vmem_shared>>) target(%dma_start3A_23 : memref<632x128xf32, #tpu.memory_space<hbm>>) target_semaphore(%run_scoped3A : memref<!tpu.dma_semaphore, #tpu.memory_space<semaphore_mem>>)
      %dma_wait3A_26 = arith.constant 0 : i32
      %dma_wait3A_27 = tpu.memref_slice %arg6[%arg0, %mul3A_20, %dma_wait3A_26] : memref<2x10112x128xf32, #tpu.memory_space<hbm>> -> memref<1x632x128xf32, #tpu.memory_space<hbm>>
      %dma_wait3A_28 = tpu.memref_squeeze %dma_wait3A_27 : memref<1x632x128xf32, #tpu.memory_space<hbm>> -> memref<632x128xf32, #tpu.memory_space<hbm>>
      %dma_wait3A_29 = arith.constant 0 : i32
      %dma_wait3A_30 = tpu.memref_slice %arg16[%mul3A_18, %dma_wait3A_29] : memref<10112x128xf32, #tpu.memory_space<vmem_shared>> -> memref<632x128xf32, #tpu.memory_space<vmem_shared>>
      tpu.wait_dma2 semaphore(%run_scoped3A : memref<!tpu.dma_semaphore, #tpu.memory_space<semaphore_mem>>) src(%dma_wait3A_30 : memref<632x128xf32, #tpu.memory_space<vmem_shared>>) dst(%dma_wait3A_28 : memref<632x128xf32, #tpu.memory_space<hbm>>)
      tpu.yield
    }) : () -> ()
    return
  }
}

module attributes {stable_mosaic.version = 14 : i64} {
  func.func @_tc_first_body(%arg0: i32, %arg1: memref<1000x1xf32, #tpu.memory_space<vmem>>, %arg2: memref<1000x1xf32, #tpu.memory_space<vmem>>, %arg3: memref<1000x128xf32, #tpu.memory_space<vmem>>, %arg4: memref<128x128xf32, #tpu.memory_space<vmem>>, %arg5: memref<1000x128xf32, #tpu.memory_space<vmem>>, %arg6: memref<1000x1xf32, #tpu.memory_space<vmem>>) attributes {dimension_semantics = [#tpu.dimension_semantics<arbitrary>], iteration_bounds = array<i64: 10>, scalar_prefetch = 0 : i64, scratch_operands = 0 : i64, tpu.core_type = #tpu.core_type<tc>, window_params = [{transform_indices = @transform_0, window_bounds = array<i64: 1000, 1>}, {transform_indices = @transform_1, window_bounds = array<i64: 1000, 1>}, {transform_indices = @transform_2, window_bounds = array<i64: 1000, 128>}, {pipeline_mode = #tpu.pipeline_mode<synchronous>, transform_indices = @transform_3, window_bounds = array<i64: 128, 128>}, {transform_indices = @transform_4, window_bounds = array<i64: 1000, 128>}, {transform_indices = @transform_5, window_bounds = array<i64: 1000, 1>}]} {
    %get3A = arith.constant 0 : index
    %get3A_0 = arith.constant 0 : index
    %get3A_1 = vector.load %arg1[%get3A, %get3A_0] : memref<1000x1xf32, #tpu.memory_space<vmem>>, vector<1000x1xf32>
    %get3A_2 = arith.constant 0 : index
    %get3A_3 = arith.constant 0 : index
    %get3A_4 = vector.load %arg2[%get3A_2, %get3A_3] : memref<1000x1xf32, #tpu.memory_space<vmem>>, vector<1000x1xf32>
    %add3A = arith.addf %get3A_1, %get3A_4 : vector<1000x1xf32>
    %add3A_5 = arith.constant 1.000000e+00 : f32
    %add3A_6 = vector.broadcast %add3A_5 : f32 to vector<1000x1xf32>
    %add3A_7 = arith.addf %add3A, %add3A_6 : vector<1000x1xf32>
    %rsqrt3A = math.rsqrt %add3A_7 : vector<1000x1xf32>
    %swap3A = arith.constant 0 : index
    %swap3A_8 = arith.constant 0 : index
    %swap3A_9 = vector.load %arg6[%swap3A, %swap3A_8] : memref<1000x1xf32, #tpu.memory_space<vmem>>, vector<1000x1xf32>
    tpu.vector_store %arg6[%swap3A, %swap3A_8], %rsqrt3A {strides = array<i32>} : memref<1000x1xf32, #tpu.memory_space<vmem>>, vector<1000x1xf32>,
    %get3A_10 = arith.constant 0 : index
    %get3A_11 = arith.constant 0 : index
    %get3A_12 = vector.load %arg3[%get3A_10, %get3A_11] : memref<1000x128xf32, #tpu.memory_space<vmem>>, vector<1000x128xf32>
    %get3A_13 = arith.constant 0 : index
    %get3A_14 = arith.constant 0 : index
    %get3A_15 = vector.load %arg4[%get3A_13, %get3A_14] : memref<128x128xf32, #tpu.memory_space<vmem>>, vector<128x128xf32>
    %dot_general3A = arith.constant dense<0.000000e+00> : vector<1000x128xf32>
    %dot_general3A_16 = tpu.matmul %get3A_12, %get3A_15, %dot_general3A {dimension_numbers = #tpu.dot_dimension_numbers<[1], [0], [0], [1], [0, 0, 1, 1], [], []>, transpose_lhs_hint = false} : vector<1000x128xf32>, vector<128x128xf32>, vector<1000x128xf32> -> vector<1000x128xf32>
    %mul3A = vector.broadcast %rsqrt3A : vector<1000x1xf32> to vector<1000x128xf32>
    %mul3A_17 = arith.mulf %mul3A, %dot_general3A_16 : vector<1000x128xf32>
    %swap3A_18 = arith.constant 0 : index
    %swap3A_19 = arith.constant 0 : index
    %swap3A_20 = vector.load %arg5[%swap3A_18, %swap3A_19] : memref<1000x128xf32, #tpu.memory_space<vmem>>, vector<1000x128xf32>
    tpu.vector_store %arg5[%swap3A_18, %swap3A_19], %mul3A_17 {strides = array<i32>} : memref<1000x128xf32, #tpu.memory_space<vmem>>, vector<1000x128xf32>,
    return
  }
  func.func @transform_0(%arg0: i32) -> (i32, i32) {
    %c0_i32 = arith.constant 0 : i32
    %c0_i32_0 = arith.constant 0 : i32
    return %arg0, %c0_i32 : i32, i32
  }
  func.func @transform_1(%arg0: i32) -> (i32, i32) {
    %c0_i32 = arith.constant 0 : i32
    %c0_i32_0 = arith.constant 0 : i32
    return %arg0, %c0_i32 : i32, i32
  }
  func.func @transform_2(%arg0: i32) -> (i32, i32) {
    %c0_i32 = arith.constant 0 : i32
    %c0_i32_0 = arith.constant 0 : i32
    return %arg0, %c0_i32 : i32, i32
  }
  func.func @transform_3(%arg0: i32) -> (i32, i32) {
    %c0_i32 = arith.constant 0 : i32
    %c0_i32_0 = arith.constant 0 : i32
    %c0_i32_1 = arith.constant 0 : i32
    return %c0_i32, %c0_i32_0 : i32, i32
  }
  func.func @transform_4(%arg0: i32) -> (i32, i32) {
    %c0_i32 = arith.constant 0 : i32
    %c0_i32_0 = arith.constant 0 : i32
    return %arg0, %c0_i32 : i32, i32
  }
  func.func @transform_5(%arg0: i32) -> (i32, i32) {
    %c0_i32 = arith.constant 0 : i32
    %c0_i32_0 = arith.constant 0 : i32
    return %arg0, %c0_i32 : i32, i32
  }
}

module attributes {stable_mosaic.version = 14 : i64} {
  func.func @_tc_mid_body(%arg0: i32, %arg1: memref<1000x128xf32, #tpu.memory_space<vmem>>, %arg2: memref<1000x128xf32, #tpu.memory_space<vmem>>, %arg3: memref<1000x128xf32, #tpu.memory_space<vmem>>, %arg4: memref<1000x1xf32, #tpu.memory_space<vmem>>, %arg5: memref<1x128xf32, #tpu.memory_space<vmem>>, %arg6: memref<128x128xf32, #tpu.memory_space<vmem>>, %arg7: memref<1000x128xf32, #tpu.memory_space<vmem>>, %arg8: memref<1000x128xf32, #tpu.memory_space<vmem>>) attributes {dimension_semantics = [#tpu.dimension_semantics<arbitrary>], iteration_bounds = array<i64: 10>, scalar_prefetch = 0 : i64, scratch_operands = 0 : i64, tpu.core_type = #tpu.core_type<tc>, window_params = [{transform_indices = @transform_0, window_bounds = array<i64: 1000, 128>}, {transform_indices = @transform_1, window_bounds = array<i64: 1000, 128>}, {transform_indices = @transform_2, window_bounds = array<i64: 1000, 128>}, {transform_indices = @transform_3, window_bounds = array<i64: 1000, 1>}, {pipeline_mode = #tpu.pipeline_mode<synchronous>, transform_indices = @transform_4, window_bounds = array<i64: 1, 128>}, {pipeline_mode = #tpu.pipeline_mode<synchronous>, transform_indices = @transform_5, window_bounds = array<i64: 128, 128>}, {transform_indices = @transform_6, window_bounds = array<i64: 1000, 128>}, {transform_indices = @transform_7, window_bounds = array<i64: 1000, 128>}]} {
    %get3A = arith.constant 0 : index
    %get3A_0 = arith.constant 0 : index
    %get3A_1 = vector.load %arg4[%get3A, %get3A_0] : memref<1000x1xf32, #tpu.memory_space<vmem>>, vector<1000x1xf32>
    %get3A_2 = arith.constant 0 : index
    %get3A_3 = arith.constant 0 : index
    %get3A_4 = vector.load %arg1[%get3A_2, %get3A_3] : memref<1000x128xf32, #tpu.memory_space<vmem>>, vector<1000x128xf32>
    %get3A_5 = arith.constant 0 : index
    %get3A_6 = arith.constant 0 : index
    %get3A_7 = vector.load %arg2[%get3A_5, %get3A_6] : memref<1000x128xf32, #tpu.memory_space<vmem>>, vector<1000x128xf32>
    %add3A = arith.addf %get3A_4, %get3A_7 : vector<1000x128xf32>
    %get3A_8 = arith.constant 0 : index
    %get3A_9 = arith.constant 0 : index
    %get3A_10 = vector.load %arg3[%get3A_8, %get3A_9] : memref<1000x128xf32, #tpu.memory_space<vmem>>, vector<1000x128xf32>
    %add3A_11 = arith.addf %add3A, %get3A_10 : vector<1000x128xf32>
    %mul3A = vector.broadcast %get3A_1 : vector<1000x1xf32> to vector<1000x128xf32>
    %mul3A_12 = arith.mulf %mul3A, %add3A_11 : vector<1000x128xf32>
    %get3A_13 = arith.constant 0 : index
    %get3A_14 = arith.constant 0 : index
    %get3A_15 = vector.load %arg5[%get3A_13, %get3A_14] : memref<1x128xf32, #tpu.memory_space<vmem>>, vector<1x128xf32>
    %add3A_16 = vector.broadcast %get3A_15 : vector<1x128xf32> to vector<1000x128xf32>
    %add3A_17 = arith.addf %mul3A_12, %add3A_16 : vector<1000x128xf32>
    %swap3A = arith.constant 0 : index
    %swap3A_18 = arith.constant 0 : index
    %swap3A_19 = vector.load %arg7[%swap3A, %swap3A_18] : memref<1000x128xf32, #tpu.memory_space<vmem>>, vector<1000x128xf32>
    tpu.vector_store %arg7[%swap3A, %swap3A_18], %add3A_17 {strides = array<i32>} : memref<1000x128xf32, #tpu.memory_space<vmem>>, vector<1000x128xf32>,
    %get3A_20 = arith.constant 0 : index
    %get3A_21 = arith.constant 0 : index
    %get3A_22 = vector.load %arg6[%get3A_20, %get3A_21] : memref<128x128xf32, #tpu.memory_space<vmem>>, vector<128x128xf32>
    %dot_general3A = arith.constant dense<0.000000e+00> : vector<1000x128xf32>
    %dot_general3A_23 = tpu.matmul %add3A_17, %get3A_22, %dot_general3A {dimension_numbers = #tpu.dot_dimension_numbers<[1], [0], [0], [1], [0, 0, 1, 1], [], []>, transpose_lhs_hint = false} : vector<1000x128xf32>, vector<128x128xf32>, vector<1000x128xf32> -> vector<1000x128xf32>
    %mul3A_24 = vector.broadcast %get3A_1 : vector<1000x1xf32> to vector<1000x128xf32>
    %mul3A_25 = arith.mulf %mul3A_24, %dot_general3A_23 : vector<1000x128xf32>
    %swap3A_26 = arith.constant 0 : index
    %swap3A_27 = arith.constant 0 : index
    %swap3A_28 = vector.load %arg8[%swap3A_26, %swap3A_27] : memref<1000x128xf32, #tpu.memory_space<vmem>>, vector<1000x128xf32>
    tpu.vector_store %arg8[%swap3A_26, %swap3A_27], %mul3A_25 {strides = array<i32>} : memref<1000x128xf32, #tpu.memory_space<vmem>>, vector<1000x128xf32>,
    return
  }
  func.func @transform_0(%arg0: i32) -> (i32, i32) {
    %c0_i32 = arith.constant 0 : i32
    %c0_i32_0 = arith.constant 0 : i32
    return %arg0, %c0_i32 : i32, i32
  }
  func.func @transform_1(%arg0: i32) -> (i32, i32) {
    %c0_i32 = arith.constant 0 : i32
    %c0_i32_0 = arith.constant 0 : i32
    return %arg0, %c0_i32 : i32, i32
  }
  func.func @transform_2(%arg0: i32) -> (i32, i32) {
    %c0_i32 = arith.constant 0 : i32
    %c0_i32_0 = arith.constant 0 : i32
    return %arg0, %c0_i32 : i32, i32
  }
  func.func @transform_3(%arg0: i32) -> (i32, i32) {
    %c0_i32 = arith.constant 0 : i32
    %c0_i32_0 = arith.constant 0 : i32
    return %arg0, %c0_i32 : i32, i32
  }
  func.func @transform_4(%arg0: i32) -> (i32, i32) {
    %c0_i32 = arith.constant 0 : i32
    %c0_i32_0 = arith.constant 0 : i32
    %c0_i32_1 = arith.constant 0 : i32
    return %c0_i32, %c0_i32_0 : i32, i32
  }
  func.func @transform_5(%arg0: i32) -> (i32, i32) {
    %c0_i32 = arith.constant 0 : i32
    %c0_i32_0 = arith.constant 0 : i32
    %c0_i32_1 = arith.constant 0 : i32
    return %c0_i32, %c0_i32_0 : i32, i32
  }
  func.func @transform_6(%arg0: i32) -> (i32, i32) {
    %c0_i32 = arith.constant 0 : i32
    %c0_i32_0 = arith.constant 0 : i32
    return %arg0, %c0_i32 : i32, i32
  }
  func.func @transform_7(%arg0: i32) -> (i32, i32) {
    %c0_i32 = arith.constant 0 : i32
    %c0_i32_0 = arith.constant 0 : i32
    return %arg0, %c0_i32 : i32, i32
  }
}

module attributes {stable_mosaic.version = 14 : i64} {
  func.func @_tc_final_body(%arg0: i32, %arg1: memref<1000x128xf32, #tpu.memory_space<vmem>>, %arg2: memref<1000x128xf32, #tpu.memory_space<vmem>>, %arg3: memref<1000x128xf32, #tpu.memory_space<vmem>>, %arg4: memref<1000x128xf32, #tpu.memory_space<vmem>>, %arg5: memref<1000x128xf32, #tpu.memory_space<vmem>>, %arg6: memref<1000x128xf32, #tpu.memory_space<vmem>>, %arg7: memref<1000x1xf32, #tpu.memory_space<vmem>>, %arg8: memref<1x128xf32, #tpu.memory_space<vmem>>, %arg9: memref<512x64xf32, #tpu.memory_space<vmem>>, %arg10: memref<1x64xf32, #tpu.memory_space<vmem>>, %arg11: memref<1000x512xf32, #tpu.memory_space<vmem>>, %arg12: memref<1000x64xf32, #tpu.memory_space<vmem>>) attributes {dimension_semantics = [#tpu.dimension_semantics<arbitrary>], iteration_bounds = array<i64: 10>, scalar_prefetch = 0 : i64, scratch_operands = 0 : i64, tpu.core_type = #tpu.core_type<tc>, window_params = [{transform_indices = @transform_0, window_bounds = array<i64: 1000, 128>}, {transform_indices = @transform_1, window_bounds = array<i64: 1000, 128>}, {transform_indices = @transform_2, window_bounds = array<i64: 1000, 128>}, {transform_indices = @transform_3, window_bounds = array<i64: 1000, 128>}, {transform_indices = @transform_4, window_bounds = array<i64: 1000, 128>}, {transform_indices = @transform_5, window_bounds = array<i64: 1000, 128>}, {transform_indices = @transform_6, window_bounds = array<i64: 1000, 1>}, {pipeline_mode = #tpu.pipeline_mode<synchronous>, transform_indices = @transform_7, window_bounds = array<i64: 1, 128>}, {pipeline_mode = #tpu.pipeline_mode<synchronous>, transform_indices = @transform_8, window_bounds = array<i64: 512, 64>}, {pipeline_mode = #tpu.pipeline_mode<synchronous>, transform_indices = @transform_9, window_bounds = array<i64: 1, 64>}, {transform_indices = @transform_10, window_bounds = array<i64: 1000, 512>}, {transform_indices = @transform_11, window_bounds = array<i64: 1000, 64>}]} {
    %get3A = arith.constant 0 : index
    %get3A_0 = arith.constant 0 : index
    %get3A_1 = vector.load %arg7[%get3A, %get3A_0] : memref<1000x1xf32, #tpu.memory_space<vmem>>, vector<1000x1xf32>
    %get3A_2 = arith.constant 0 : index
    %get3A_3 = arith.constant 0 : index
    %get3A_4 = vector.load %arg4[%get3A_2, %get3A_3] : memref<1000x128xf32, #tpu.memory_space<vmem>>, vector<1000x128xf32>
    %get3A_5 = arith.constant 0 : index
    %get3A_6 = arith.constant 0 : index
    %get3A_7 = vector.load %arg5[%get3A_5, %get3A_6] : memref<1000x128xf32, #tpu.memory_space<vmem>>, vector<1000x128xf32>
    %add3A = arith.addf %get3A_4, %get3A_7 : vector<1000x128xf32>
    %get3A_8 = arith.constant 0 : index
    %get3A_9 = arith.constant 0 : index
    %get3A_10 = vector.load %arg6[%get3A_8, %get3A_9] : memref<1000x128xf32, #tpu.memory_space<vmem>>, vector<1000x128xf32>
    %add3A_11 = arith.addf %add3A, %get3A_10 : vector<1000x128xf32>
    %mul3A = vector.broadcast %get3A_1 : vector<1000x1xf32> to vector<1000x128xf32>
    %mul3A_12 = arith.mulf %mul3A, %add3A_11 : vector<1000x128xf32>
    %get3A_13 = arith.constant 0 : index
    %get3A_14 = arith.constant 0 : index
    %get3A_15 = vector.load %arg8[%get3A_13, %get3A_14] : memref<1x128xf32, #tpu.memory_space<vmem>>, vector<1x128xf32>
    %add3A_16 = vector.broadcast %get3A_15 : vector<1x128xf32> to vector<1000x128xf32>
    %add3A_17 = arith.addf %mul3A_12, %add3A_16 : vector<1000x128xf32>
    %get3A_18 = arith.constant 0 : index
    %get3A_19 = arith.constant 0 : index
    %get3A_20 = vector.load %arg1[%get3A_18, %get3A_19] : memref<1000x128xf32, #tpu.memory_space<vmem>>, vector<1000x128xf32>
    %get3A_21 = arith.constant 0 : index
    %get3A_22 = arith.constant 0 : index
    %get3A_23 = vector.load %arg2[%get3A_21, %get3A_22] : memref<1000x128xf32, #tpu.memory_space<vmem>>, vector<1000x128xf32>
    %get3A_24 = arith.constant 0 : index
    %get3A_25 = arith.constant 0 : index
    %get3A_26 = vector.load %arg3[%get3A_24, %get3A_25] : memref<1000x128xf32, #tpu.memory_space<vmem>>, vector<1000x128xf32>
    %concatenate3A = tpu.concatenate %get3A_20, %get3A_23, %get3A_26, %add3A_17 in 1 : vector<1000x128xf32>, vector<1000x128xf32>, vector<1000x128xf32>, vector<1000x128xf32> -> vector<1000x512xf32>
    %swap3A = arith.constant 0 : index
    %swap3A_27 = arith.constant 0 : index
    %swap3A_28 = vector.load %arg11[%swap3A, %swap3A_27] : memref<1000x512xf32, #tpu.memory_space<vmem>>, vector<1000x512xf32>
    tpu.vector_store %arg11[%swap3A, %swap3A_27], %concatenate3A {strides = array<i32>} : memref<1000x512xf32, #tpu.memory_space<vmem>>, vector<1000x512xf32>,
    %get3A_29 = arith.constant 0 : index
    %get3A_30 = arith.constant 0 : index
    %get3A_31 = vector.load %arg9[%get3A_29, %get3A_30] : memref<512x64xf32, #tpu.memory_space<vmem>>, vector<512x64xf32>
    %dot_general3A = arith.constant dense<0.000000e+00> : vector<1000x64xf32>
    %dot_general3A_32 = tpu.matmul %concatenate3A, %get3A_31, %dot_general3A {dimension_numbers = #tpu.dot_dimension_numbers<[1], [0], [0], [1], [0, 0, 1, 1], [], []>, transpose_lhs_hint = false} : vector<1000x512xf32>, vector<512x64xf32>, vector<1000x64xf32> -> vector<1000x64xf32>
    %get3A_33 = arith.constant 0 : index
    %get3A_34 = arith.constant 0 : index
    %get3A_35 = vector.load %arg10[%get3A_33, %get3A_34] : memref<1x64xf32, #tpu.memory_space<vmem>>, vector<1x64xf32>
    %add3A_36 = vector.broadcast %get3A_35 : vector<1x64xf32> to vector<1000x64xf32>
    %add3A_37 = arith.addf %dot_general3A_32, %add3A_36 : vector<1000x64xf32>
    %swap3A_38 = arith.constant 0 : index
    %swap3A_39 = arith.constant 0 : index
    %swap3A_40 = vector.load %arg12[%swap3A_38, %swap3A_39] : memref<1000x64xf32, #tpu.memory_space<vmem>>, vector<1000x64xf32>
    tpu.vector_store %arg12[%swap3A_38, %swap3A_39], %add3A_37 {strides = array<i32>} : memref<1000x64xf32, #tpu.memory_space<vmem>>, vector<1000x64xf32>,
    return
  }
  func.func @transform_0(%arg0: i32) -> (i32, i32) {
    %c0_i32 = arith.constant 0 : i32
    %c0_i32_0 = arith.constant 0 : i32
    return %arg0, %c0_i32 : i32, i32
  }
  func.func @transform_1(%arg0: i32) -> (i32, i32) {
    %c0_i32 = arith.constant 0 : i32
    %c0_i32_0 = arith.constant 0 : i32
    return %arg0, %c0_i32 : i32, i32
  }
  func.func @transform_2(%arg0: i32) -> (i32, i32) {
    %c0_i32 = arith.constant 0 : i32
    %c0_i32_0 = arith.constant 0 : i32
    return %arg0, %c0_i32 : i32, i32
  }
  func.func @transform_3(%arg0: i32) -> (i32, i32) {
    %c0_i32 = arith.constant 0 : i32
    %c0_i32_0 = arith.constant 0 : i32
    return %arg0, %c0_i32 : i32, i32
  }
  func.func @transform_4(%arg0: i32) -> (i32, i32) {
    %c0_i32 = arith.constant 0 : i32
    %c0_i32_0 = arith.constant 0 : i32
    return %arg0, %c0_i32 : i32, i32
  }
  func.func @transform_5(%arg0: i32) -> (i32, i32) {
    %c0_i32 = arith.constant 0 : i32
    %c0_i32_0 = arith.constant 0 : i32
    return %arg0, %c0_i32 : i32, i32
  }
  func.func @transform_6(%arg0: i32) -> (i32, i32) {
    %c0_i32 = arith.constant 0 : i32
    %c0_i32_0 = arith.constant 0 : i32
    return %arg0, %c0_i32 : i32, i32
  }
  func.func @transform_7(%arg0: i32) -> (i32, i32) {
    %c0_i32 = arith.constant 0 : i32
    %c0_i32_0 = arith.constant 0 : i32
    %c0_i32_1 = arith.constant 0 : i32
    return %c0_i32, %c0_i32_0 : i32, i32
  }
  func.func @transform_8(%arg0: i32) -> (i32, i32) {
    %c0_i32 = arith.constant 0 : i32
    %c0_i32_0 = arith.constant 0 : i32
    %c0_i32_1 = arith.constant 0 : i32
    return %c0_i32, %c0_i32_0 : i32, i32
  }
  func.func @transform_9(%arg0: i32) -> (i32, i32) {
    %c0_i32 = arith.constant 0 : i32
    %c0_i32_0 = arith.constant 0 : i32
    %c0_i32_1 = arith.constant 0 : i32
    return %c0_i32, %c0_i32_0 : i32, i32
  }
  func.func @transform_10(%arg0: i32) -> (i32, i32) {
    %c0_i32 = arith.constant 0 : i32
    %c0_i32_0 = arith.constant 0 : i32
    return %arg0, %c0_i32 : i32, i32
  }
  func.func @transform_11(%arg0: i32) -> (i32, i32) {
    %c0_i32 = arith.constant 0 : i32
    %c0_i32_0 = arith.constant 0 : i32
    return %arg0, %c0_i32 : i32, i32
  }
}

</mosaic_0001>

<sc_bundles>
// kernel: kernel.10.cloned.1.call-start
scs
__scs_entry_jumppad:
0x0: {  	(pc) =	sbr.rel $0x88, $3  }
0x1: {  	(tag) =	ssettag $0x0;
	lr =	simm.s32 $0x1  }
0x2: {  	[smem:$0x3F97] =	sst lr;
	_ =	strace $0xD0000000  }
0x3: {  	_ = 	snop  }
0x4: {  	_ = 	snop  }
0x5: {  	_ = 	snop  }
0x6: {  	_ = 	snop  }
0x7: {  	_ = 	snop  }
__scs_overlays_trampoline_lowered:
0x8: {  	[smem:$0x3FA6] =	sst s0  }
0x9: {  	[smem:$0x3FA7] =	sst s1  }
0xa: {  	[smem:$0x3FA8] =	sst s2  }
0xb: {  	[smem:$0x3FA9] =	sst s3  }
0xc: {  	[smem:$0x3FAA] =	sst s4  }
0xd: {  	[smem:$0x3FAB] =	sst s5  }
0xe: {  	[smem:$0x3FAC] =	sst s6  }
0xf: {  	[smem:$0x3FAD] =	sst s7  }
0x10: {  	[smem:$0x3FAE] =	sst s8  }
0x11: {  	[smem:$0x3FAF] =	sst s9;
	s0 =	simm.s32 @!p0 $0x0  }
0x12: {  	s1 =	sld [smem:$0x3F95];
	s0 =	simm.s32 @p0 $0x1  }
0x13: {  	[smem:$0x3FB0] =	sst s0;
	s0 =	simm.s32 @!p1 $0x0  }
0x14: {  	s2 =	sld [smem:$0x3F94];
	s0 =	simm.s32 @p1 $0x1  }
0x15: {  	[smem:$0x3FB1] =	sst s0;
	s0 =	simm.s32 @!p2 $0x0  }
0x16: {  	s3 =	sld [smem:$0x3FDB];
	s0 =	simm.s32 @p2 $0x1  }
0x17: {  	s4 =	simm.s32 $0x1BF5;
	[smem:$0x3FB3] =	sst s0  }
0x18: {  	s0 =	sld [smem:$0x3F96];
	_ =	swait.ge [sflag:s4], $0x0  }
0x19: {  	s7 =	sld [smem:$0x3F97]  }
0x1a: {  	s8 =	sadd.s32 $0xFFFFE003, lr  }
0x1b: {  	s9 =	sadd.s32 $0xFFFFFEF7, lr;
	s5 =	simm.s32 $0xFFFFFFFF;
	p2 =	slt.u32 s8, $0xFFFFF086  }
0x1c: {  	p1 =	slt.u32 s9, $0xF7A;
	s5 =	simm.s32 @!p2 $0x0  }
0x1d: {  	s5 =	simm.s32 @p1 $0x1;
	p0 =	seq.s32 s7, s2  }
0x1e: {  	s7 =	smul.u32 @!p0 $0xF7A, s2;
	p2 =	seq.s32 @!p0 s5, $0x0  }
0x1f: {  	s9 =	smul.u32 $0xF7A, s1;
	s8 =	simm.s32 @!p0 $0x1BF5;
	p2 =	por !p2, p0  }
0x20: {  	[sflag:s8] =	ssyncset.s32 @!p0 $0xFFFFF086;
	s6 =	sadd.s32 @!p0 s3, s7;
	s7 =	simm.s32 @!p0 $0x108  }
0x21: {  	s3 =	sadd.s32 s3, s9;
	s6 =	sadd.s32 @!p0 $0x88, s6;
	s7 =	simm.s32 @p2 $0x1082  }
0x22: {  	[simem:s7], [sflag:s8] =	dma.local @!p0 [hbm:s6], $0xF7A  }
0x23: {  	s9 =	sor.u32 $0xD0000000, s2;
	s6 =	simm.s32 $0x108;
	_ =	swait.ge @!p0 [sflag:s8], $0x0  }
0x24: {  	s3 =	sadd.s32 $0x88, s3;
	s6 =	simm.s32 @!p1 $0x1082;
	[sflag:s4] =	ssyncset.s32 $0xFFFFF086  }
0x25: {  	[simem:s6], [sflag:s4] =	dma.local [hbm:s3], $0xF7A  }
0x26: {  	[smem:$0x3F97] =	sst s1;
	(tag) =	ssettag s2;
	_ =	strace s9  }
0x27: {  	s1 =	sld [smem:$0x3FA7]  }
0x28: {  	s2 =	sld [smem:$0x3FA8]  }
0x29: {  	s4 =	sld [smem:$0x3FAA]  }
0x2a: {  	p0 =	seq.s32 s5, $0x0;
	s5 =	sld [smem:$0x3FAB]  }
0x2b: {  	s6 =	sld [smem:$0x3FAC]  }
0x2c: {  	s7 =	sld [smem:$0x3FAD]  }
0x2d: {  	s3 =	simm.s32 $0x108;
	s8 =	sld [smem:$0x3FAE]  }
0x2e: {  	s3 =	simm.s32 @!p0 $0x1082;
	s9 =	sld [smem:$0x3FAF]  }
0x2f: {  	lr =	sadd.s32 s0, s3;
	s0 =	sld [smem:$0x3FA6]  }
0x30: {  	s3 =	sld [smem:$0x3FA9]  }
0x31: {  	[smem:$0x3FB2] =	sst s10  }
0x32: {  	s10 =	sld [smem:$0x3FB0];
	_ =	sdelay $0x3  }
0x33: {  	p0 =	seq.s32 s10, $0x1;
	s10 =	sld [smem:$0x3FB2];
	_ =	sdelay $0x3  }
0x34: {  	[smem:$0x3FB2] =	sst s10  }
0x35: {  	s10 =	sld [smem:$0x3FB1];
	_ =	sdelay $0x3  }
0x36: {  	p1 =	seq.s32 s10, $0x1;
	s10 =	sld [smem:$0x3FB2];
	_ =	sdelay $0x3  }
0x37: {  	[smem:$0x3FB2] =	sst s10  }
0x38: {  	s10 =	sld [smem:$0x3FB3]  }
0x39: {  	_ = 	snop;
	(pc) =	sbr.ind lr, $3  }
0x3a: {  	_ = 	snop  }
0x3b: {  	_ = 	snop  }
0x3c: {  	p2 =	seq.s32 s10, $0x1;
	s10 =	sld [smem:$0x3FB2]  }
0x3d: {  	_ =	shalt  }
0x3e: {  	_ =	shalt  }
0x3f: {  	_ =	shalt  }
0x40: {  	_ =	shalt  }
0x41: {  	_ =	shalt  }
0x42: {  	_ =	shalt  }
0x43: {  	_ =	shalt  }
0x44: {  	_ =	shalt  }
0x45: {  	_ =	shalt  }
0x46: {  	_ =	shalt  }
0x47: {  	_ =	shalt  }
0x48: {  	_ =	shalt  }
0x49: {  	_ =	shalt  }
0x4a: {  	_ =	shalt  }
0x4b: {  	_ =	shalt  }
0x4c: {  	_ =	shalt  }
0x4d: {  	_ =	shalt  }
0x4e: {  	_ =	shalt  }
0x4f: {  	_ =	shalt  }
0x50: {  	_ =	shalt  }
0x51: {  	_ =	shalt  }
0x52: {  	_ =	shalt  }
0x53: {  	_ =	shalt  }
0x54: {  	_ =	shalt  }
0x55: {  	_ =	shalt  }
0x56: {  	_ =	shalt  }
0x57: {  	_ =	shalt  }
0x58: {  	_ =	shalt  }
0x59: {  	_ =	shalt  }
0x5a: {  	_ =	shalt  }
0x5b: {  	_ =	shalt  }
0x5c: {  	_ =	shalt  }
0x5d: {  	_ =	shalt  }
0x5e: {  	_ =	shalt  }
0x5f: {  	_ =	shalt  }
0x60: {  	_ =	shalt  }
0x61: {  	_ =	shalt  }
0x62: {  	_ =	shalt  }
0x63: {  	_ =	shalt  }
0x64: {  	_ =	shalt  }
0x65: {  	_ =	shalt  }
0x66: {  	_ =	shalt  }
0x67: {  	_ =	shalt  }
0x68: {  	_ =	shalt  }
0x69: {  	_ =	shalt  }
0x6a: {  	_ =	shalt  }
0x6b: {  	_ =	shalt  }
0x6c: {  	_ =	shalt  }
0x6d: {  	_ =	shalt  }
0x6e: {  	_ =	shalt  }
0x6f: {  	_ =	shalt  }
0x70: {  	_ =	shalt  }
0x71: {  	_ =	shalt  }
0x72: {  	_ =	shalt  }
0x73: {  	_ =	shalt  }
0x74: {  	_ =	shalt  }
0x75: {  	_ =	shalt  }
0x76: {  	_ =	shalt  }
0x77: {  	_ =	shalt  }
0x78: {  	_ =	shalt  }
0x79: {  	_ =	shalt  }
0x7a: {  	_ =	shalt  }
0x7b: {  	_ =	shalt  }
0x7c: {  	_ =	shalt  }
0x7d: {  	_ =	shalt  }
0x7e: {  	_ =	shalt  }
0x7f: {  	_ =	shalt  }
0x80: {  	_ =	shalt  }
0x81: {  	_ =	shalt  }
0x82: {  	_ =	shalt  }
0x83: {  	_ =	shalt  }
0x84: {  	_ =	shalt  }
0x85: {  	_ =	shalt  }
0x86: {  	_ =	shalt  }
0x87: {  	_ =	shalt  }
.Lfunc_end0:
.L_simem_size_0:
called_computation_lowered:
.L_overlay_start_0:
0x88: {  	s2 =	sld [smem:$0x3FD9]  }
0x89: {  	s3 =	sld [smem:$0x3FFE];
	_ =	sdelay $0x1  }
0x8a: {  	s1 =	srdreg.scid  }
0x8b: {  	s0 =	sand.u32 $0x1, s1  }
0x8c: {  	s14 =	sshll.u32 s0, $0xA;
	s2 =	sadd.s32 s3, s2  }
0x8d: {  	s2 =	sadd.s32 s2, s14  }
0x8e: {  	[smem:$0x3FBE] =	sst s2  }
0x8f: {  	_ = 	snop  }
0x90: {  	s2 =	sld [smem:$0x3FD0];
	_ =	sdelay $0x2  }
0x91: {  	s15 =	simm.s32 $0xA;
	s4 =	simm.s32 $0x10  }
0x92: {  	[smem:s4], [sflag:s15] =	dma.local [hbm:s2], $0x1  }
0x93: {  	_ =	swait.eq [sflag:s15], $0x1  }
0x94: {  	[sflag:s15] =	ssyncset.done $0x0  }
0x95: {  	[sflag:s15] =	ssyncadd.s32 $0xFFFFFFFF  }
0x96: {  	s16 =	sld [smem:$0x11];
	(tm) =	ssettm $0x1  }
0x97: {  	s17 =	sld [smem:$0x3FFB];
	_ =	sdelay $0x3  }
0x98: {  	_ =	strace s17  }
0x99: {  	s3 =	sld [smem:$0x3FFC];
	_ =	sdelay $0x3  }
0x9a: {  	_ =	strace s3  }
0x9b: {  	s3 =	sld [smem:$0x3FFD];
	_ =	sdelay $0x3  }
0x9c: {  	_ =	strace s3  }
0x9d: {  	_ =	strace $0x8FFFFFFF  }
0x9e: {  	s18 =	sld [smem:$0x3FDB];
	_ =	sdelay $0x1  }
0x9f: {  	s19 =	simm.s32 $_scs_section_size  }
0xa0: {  	s5 =	simm.s32 $_size__tile_overlayer_lowered;
	s6 =	simm.s32 $_tile_overlayer_lowered  }
0xa1: {  	s22 =	simm.s32 $0x1BFF;
	s21 =	sshll.u32 s6, $0x1;
	s3 =	sadd.s32 s19, s18  }
0xa2: {  	s7 =	simm.s32 $0x0;
	s20 =	sshll.u32 s5, $0x1;
	s5 =	sadd.s32 s21, s3  }
0xa3: {  	[timem:s7], [sflag:s22] =	dma.local [hbm:s5], s20  }
0xa4: {  	_ =	swait.ge [sflag:s22], s20  }
0xa5: {  	s4 =	ssub.s32 $0x0, s20;
	[sflag:s22] =	ssyncset.done $0x0  }
0xa6: {  	[sflag:s22] =	ssyncadd.s32 s4;
	_ =	sdelay $0x1  }
0xa7: {  	s23 =	simm.s32 $0x1B8B  }
0xa8: {  	_ =	swait.ge [sflag:s23], $0x1  }
0xa9: {  	[sflag:s23] =	ssyncset.done $0x0  }
0xaa: {  	s25 =	simm.s32 $0x1B8E;
	s24 =	sld [smem:$0x3FFE];
	[sflag:s23] =	ssyncadd.s32 $0xFFFFFFFF  }
0xab: {  	s26 =	simm.s32 $execute0_lowered;
	[smem:$0x3FD2] =	sst s25  }
0xac: {  	s5 =	sshll.u32 s26, $0x1;
	_ =	strace $0x80000046;
	[dreg:$0x1] =	wrdreg $0xFFFFFFFF  }
0xad: {  	s28 =	simm.s32 $_size_execute0_lowered;
	s3 =	sadd.s32 s3, s5;
	[dreg:$0x0] =	wrdreg $0x0  }
0xae: {  	s5 =	sshll.u32 s28, $0x1;
	[dreg:$0x2] =	wrdreg s3  }
0xaf: {  	[dreg:$0x3] =	wrdreg s5  }
0xb0: {  	[dreg:$0x4] =	wrdreg $0xC0  }
0xb1: {  	_ =	task [dreg:s7], $0x5FFFF  }
0xb2: {  	[dreg:$0x1] =	wrdreg $0xFFFFFFFF  }
0xb3: {  	[dreg:$0x0] =	wrdreg $0x60  }
0xb4: {  	[dreg:$0x2] =	wrdreg s24  }
0xb5: {  	[dreg:$0x3] =	wrdreg s16  }
0xb6: {  	[dreg:$0x4] =	wrdreg $0x41000  }
0xb7: {  	[dreg:$0x5] =	wrdreg $0x9  }
0xb8: {  	_ =	task.clear_ibuf [dreg:s7], $0x6FFFF;
	_ =	strace $0x90000046  }
0xb9: {  	s29 =	simm.s32 $0x9;
	_ =	strace $0x80000048  }
0xba: {  	_ =	swait.ge [sflag:s29], $0x1  }
0xbb: {  	[sflag:s29] =	ssyncadd.s32 $0xFFFFFFFF  }
0xbc: {  	_ =	strace $0x90000048  }
0xbd: {  	_ =	sfence  }
0xbe: {  	s30 =	sld [smem:$0x0];
	_ =	sdelay $0x2  }
0xbf: {  	s31 =	sshll.u32 s1, $0xD;
	s1 =	sshrl.u32 s1, $0x2  }
0xc0: {  	s3 =	sand.u32 $0x4000, s31;
	s1 =	sadd.s32 s1, s30  }
0xc1: {  	s0 =	sor.u32 s3, s0;
	s1 =	sshll.u32 s1, $0x11  }
0xc2: {  	s0 =	sor.u32 s1, s0  }
0xc3: {  	s0 =	sadd.s32 $0x8F2B, s0  }
0xc4: {  	[sflag:s0] =	ssyncadd.remote.s32 $0x1  }
0xc5: {  	_ =	sfence.sel $0xFFFF  }
0xc6: {  	[dreg:$0x0] =	wrdreg $0xFFFFFFFF;
	(pc) =	sbr.abs _section_cstart, $3  }
0xc7: {  	[dreg:$0x1] =	wrdreg $0xFFFFFFFF  }
0xc8: {  	_ =	task.clear_ibuf [dreg:s7], $0x2FFFF;
	_ =	strace $0x9FFFFFFF  }
0xc9: {  	(tm) =	ssettm $0x7FFFFFFF  }
tec
execute0_lowered:
.L_overlay_start_1:
0x0: {  	(tag) =	ssettag $0x1  }
0x1: {  	s5 =	rddreg [dreg:$0x0]  }
0x2: {  	s8 =	rddreg [dreg:$0x1];
	s2 =	srdreg.scid  }
0x3: {  	s1 =	rddreg [dreg:$0x2];
	s6 =	sand.u32 $0x1, s2;
	s2 =	stileid.u32  }
0x4: {  	s0 =	rddreg [dreg:$0x3];
	s3 =	simm.s32 $0x0;
	s7 =	smul.u32 $0x4F000, s2  }
0x5: {  	[smem:$0x7FF] =	sst s3;
	s12 =	smul.u32 $0x13C000, s6  }
0x6: {  	s10 =	sadd.s32 $0x3800, s5;
	s4 =	sshll.u32 s6, $0x4;
	s14 =	smul.u32 $0x13C00, s2  }
0x7: {  	_ =	strace $0x80000047;
	s11 =	ssub.s32 $0x2, s6;
	s25 =	smul.u32 $0x27100, s6  }
0x8: {  	s28 =	sshll.u32 s2, $0x6;
	s15 =	smul.u32 $0x2710, s2;
	s4 =	sor.u32 s2, s4  }
0x9: {  	s13 =	sshrl.u32 s11, $0x1;
	s6 =	sor.u32 $0x1C01, s28;
	s9 =	smul.u32 $0x2710, s4  }
0xa: {  	s4 =	sadd.s32 $0xD600, s5;
	s5 =	sadd.s32 $0xDE00, s5;
	s11 =	ssub.s32 s11, s13  }
0xb: {  	s26 =	sshrl.u32 s7, $0x2;
	s30 =	sadd.s32 s14, s12;
	s31 =	sadd.s32 s15, s25  }
0xc: {  	s13 =	simm.s32 $0x100;
	s14 =	simm.s32 $0x80;
	s15 =	simm.s32 $0x10  }
0xd: {  	s16 =	sadd.s32 s26, s1;
	s29 =	sshrl.u32 s9, $0x3;
	s9 =	sshrl.u32 s30, $0x3  }
0xe: {  	s12 =	sshrl.u32 s31, $0x3;
	s7 =	sadd.s32 s10, s29;
	s8 =	sadd.s32 s8, s9  }
0xf: {  	s9 =	smax.u32 s11, $0x1;
	s10 =	sadd.s32 s12, s10;
	s11 =	sshrl.u32 s16, $0x3  }
0x10: {  	s12 =	simm.s32 $0x1;
	s16 =	simm.s32 $0x0;
	s7 =	sadd.s32 $0x4E0, s7  }
.LBB2_1:
0x11: {  	[spmem:s11], [sflag:s6] =	dma.local [hbm:s5], $0x2780  }
0x12: {  	_ =	swait.ge [sflag:s12], $0x2780  }
0x13: {  	[sflag:s12] =	ssyncset.done $0x0  }
0x14: {  	[sflag:s12] =	ssyncadd.s32 $0xFFFFD880  }
0x15: {  	[tilespmem:s13], [sflag:$0x1] =	stream.linear.gather [hbm4b:s4+s3], $0x4000, $0x38;
	[tilespmem:$0x6880] =	vst v63  }
0x16: {  	_ =	swait.ge [sflag:s12], $0x4000  }
0x17: {  	[sflag:s12] =	ssyncset.done $0x0  }
0x18: {  	[sflag:s12] =	ssyncadd.s32 $0xFFFFC000  }
0x19: {  	s17 =	sadd.s32 $0x0, s10;
	[bflag:$0x0] =	sbarrier.arrive $0xFFFF  }
0x1a: {  	[tilespmem:s3], [sflag:$0x1] =	stream.linear.gather [hbm4b:s17+s3], $0x80, $0x38;
	[tilespmem:$0x6880] =	vst v63  }
0x1b: {  	_ =	swait.ge [sflag:s12], $0x80  }
0x1c: {  	[sflag:s12] =	ssyncset.done $0x0  }
0x1d: {  	[sflag:s12] =	ssyncadd.s32 $0xFFFFFF80  }
0x1e: {  	[spmem:s1] =	stream.indirect.scatter.add.f32 [tilespmem:s13], [sflag:$0x1], $0x10, s3, s14, $0xb8;
	[tilespmem:$0x6880] =	vst v63  }
0x1f: {  	_ =	swait.ge [sflag:s12], $0x800  }
0x20: {  	s18 =	simm.s32 $0x20;
	s17 =	simm.s32 $0x10;
	[sflag:s12] =	ssyncset.done $0x0  }
.LBB2_2:
0x21: {  	s19 =	sadd.s32 s17, s10  }
0x22: {  	[sflag:s12] =	ssyncadd.s32 $0xFFFFF800;
	s17 =	smov.u32 s18;
	s20 =	sadd.s32 $0x10, s18  }
0x23: {  	[tilespmem:s3], [sflag:$0x1] =	stream.linear.gather [hbm4b:s19+s3], $0x80, $0x38;
	[tilespmem:$0x6880] =	vst v63  }
0x24: {  	p0 =	sne.s32 s18, $0x4D0;
	_ =	swait.ge [sflag:s12], $0x80  }
.Ltmp0:
0x25: {  	[sflag:s12] =	ssyncset.done $0x0;
	(pc) =	sbr.rel @p0 .LBB2_2-.Ltmp0, $4  }
0x26: {  	[sflag:s12] =	ssyncadd.s32 $0xFFFFFF80  }
0x27: {  	[spmem:s1] =	stream.indirect.scatter.add.f32 [tilespmem:s13], [sflag:$0x1], $0x10, s3, s14, $0xb8;
	[tilespmem:$0x6880] =	vst v63  }
0x28: {  	_ =	swait.ge [sflag:s12], $0x800  }
0x29: {  	s18 =	smov.u32 s20;
	[sflag:s12] =	ssyncset.done $0x0  }
0x2a: {  	s17 =	sadd.s32 s17, s10;
	[sflag:s12] =	ssyncadd.s32 $0xFFFFF800  }
0x2b: {  	[tilespmem:s3], [sflag:$0x1] =	stream.linear.gather [hbm4b:s17+s3], $0x80, $0x38;
	[tilespmem:$0x6880] =	vst v63  }
0x2c: {  	_ =	swait.ge [sflag:s12], $0x80  }
0x2d: {  	[sflag:s12] =	ssyncset.done $0x0  }
0x2e: {  	[sflag:s12] =	ssyncadd.s32 $0xFFFFFF80  }
0x2f: {  	[spmem:s1] =	stream.indirect.scatter.add.f32 [tilespmem:s13], [sflag:$0x1], $0x10, s3, s14, $0xb8;
	[tilespmem:$0x6880] =	vst v63  }
0x30: {  	_ =	swait.ge [sflag:s12], $0x800  }
0x31: {  	[sflag:s12] =	ssyncset.done $0x0  }
0x32: {  	[sflag:s12] =	ssyncadd.s32 $0xFFFFF800  }
0x33: {  	[tilespmem:s14], [sflag:$0x1] =	stream.linear.gather [hbm4b:s7+s3], $0x10, $0x38;
	[tilespmem:$0x6880] =	vst v63  }
0x34: {  	_ =	swait.ge [sflag:s12], $0x10  }
0x35: {  	[sflag:s12] =	ssyncset.done $0x0  }
0x36: {  	[sflag:s12] =	ssyncadd.s32 $0xFFFFFFF0  }
0x37: {  	[spmem:s1] =	stream.indirect.scatter.add.f32 [tilespmem:s13], [sflag:$0x1], $0x10, s14, s15, $0xb8;
	[tilespmem:$0x6880] =	vst v63  }
0x38: {  	_ =	swait.ge [sflag:s12], $0x100  }
0x39: {  	s16 =	sadd.s32 $0x1, s16;
	[sflag:s12] =	ssyncset.done $0x0  }
0x3a: {  	p0 =	sne.s32 s16, s9;
	[sflag:s12] =	ssyncadd.s32 $0xFFFFFF00  }
.Ltmp1:
0x3b: {  	[bflag:$0x0] =	sbarrier.arrive $0xFFFF;
	(pc) =	sbr.rel @p0 .LBB2_1-.Ltmp1, $4  }
0x3c: {  	[hbm:s8], [sflag:s6] =	dma.local [spmem:s11], $0x2780  }
0x3d: {  	_ =	swait.ge [sflag:s12], $0x2780  }
0x3e: {  	[sflag:s12] =	ssyncset.done $0x0  }
0x3f: {  	[sflag:s12] =	ssyncadd.s32 $0xFFFFD880  }
0x40: {  	_ =	sfence.sel $0x180000  }
0x41: {  	[bflag:$0x0] =	sbarrier.arrive $0xFFFF  }
0x42: {  	p0 =	sne.s32 s2, $0x0;
	_ =	strace $0x90000047  }
0x43: {  	s0 =	sadd.s32 @!p0 $0x100000, s0;
	[bflag:$0x2] =	sbarrier.arrive $0xFFFF  }
0x44: {  	[sflag:s0] =	ssyncadd.tile.s32 @!p0 $0x1;
	_ =	shalt  }
.Lfunc_end2:
_tile_overlayer_lowered:
.L_overlay_start_2:
0x45: {  	(tag) =	ssettag $0x2  }
0x46: {  	s0 =	rddreg [dreg:$0x0];
	s2 =	stileid.u32  }
0x47: {  	s1 =	rddreg [dreg:$0x1];
	p0 =	sne.s32 s2, $0x0  }
0x48: {  	s3 =	rddreg [dreg:$0x2];
	[bflag:$0x3] =	sbarrier.arrive $0xFFFF;
	s2 =	simm.s32 @!p0 $0x1C01  }
0x49: {  	[timem:s3], [sflag:s2] =	dma.local @!p0 [hbm:s0], s1  }
0x4a: {  	s0 =	simm.s32 @!p0 $0x1  }
0x4b: {  	_ =	swait.ge @!p0 [sflag:s0], s1  }
0x4c: {  	s1 =	ssub.s32 @!p0 $0x0, s1;
	[sflag:s0] =	ssyncset.done @!p0 $0x0  }
0x4d: {  	[sflag:s0] =	ssyncadd.s32 @!p0 s1  }
0x4e: {  	[bflag:$0x3] =	sbarrier.arrive $0xFFFF  }
0x4f: {  	_ =	shalt  }

// kernel: kernel.13.cloned.1.call-start
scs
__scs_entry_jumppad:
0x0: {  	(pc) =	sbr.rel $0x88, $3  }
0x1: {  	(tag) =	ssettag $0x0;
	lr =	simm.s32 $0x1  }
0x2: {  	[smem:$0x3F97] =	sst lr;
	_ =	strace $0xD0000000  }
0x3: {  	_ = 	snop  }
0x4: {  	_ = 	snop  }
0x5: {  	_ = 	snop  }
0x6: {  	_ = 	snop  }
0x7: {  	_ = 	snop  }
__scs_overlays_trampoline_lowered:
0x8: {  	[smem:$0x3FA6] =	sst s0  }
0x9: {  	[smem:$0x3FA7] =	sst s1  }
0xa: {  	[smem:$0x3FA8] =	sst s2  }
0xb: {  	[smem:$0x3FA9] =	sst s3  }
0xc: {  	[smem:$0x3FAA] =	sst s4  }
0xd: {  	[smem:$0x3FAB] =	sst s5  }
0xe: {  	[smem:$0x3FAC] =	sst s6  }
0xf: {  	[smem:$0x3FAD] =	sst s7  }
0x10: {  	[smem:$0x3FAE] =	sst s8  }
0x11: {  	[smem:$0x3FAF] =	sst s9;
	s0 =	simm.s32 @!p0 $0x0  }
0x12: {  	s1 =	sld [smem:$0x3F95];
	s0 =	simm.s32 @p0 $0x1  }
0x13: {  	[smem:$0x3FB0] =	sst s0;
	s0 =	simm.s32 @!p1 $0x0  }
0x14: {  	s2 =	sld [smem:$0x3F94];
	s0 =	simm.s32 @p1 $0x1  }
0x15: {  	[smem:$0x3FB1] =	sst s0;
	s0 =	simm.s32 @!p2 $0x0  }
0x16: {  	s3 =	sld [smem:$0x3FDB];
	s0 =	simm.s32 @p2 $0x1  }
0x17: {  	s4 =	simm.s32 $0x1BF5;
	[smem:$0x3FB3] =	sst s0  }
0x18: {  	s0 =	sld [smem:$0x3F96];
	_ =	swait.ge [sflag:s4], $0x0  }
0x19: {  	s7 =	sld [smem:$0x3F97]  }
0x1a: {  	s8 =	sadd.s32 $0xFFFFE003, lr  }
0x1b: {  	s9 =	sadd.s32 $0xFFFFFEF7, lr;
	s5 =	simm.s32 $0xFFFFFFFF;
	p2 =	slt.u32 s8, $0xFFFFF086  }
0x1c: {  	p1 =	slt.u32 s9, $0xF7A;
	s5 =	simm.s32 @!p2 $0x0  }
0x1d: {  	s5 =	simm.s32 @p1 $0x1;
	p0 =	seq.s32 s7, s2  }
0x1e: {  	s7 =	smul.u32 @!p0 $0xF7A, s2;
	p2 =	seq.s32 @!p0 s5, $0x0  }
0x1f: {  	s9 =	smul.u32 $0xF7A, s1;
	s8 =	simm.s32 @!p0 $0x1BF5;
	p2 =	por !p2, p0  }
0x20: {  	[sflag:s8] =	ssyncset.s32 @!p0 $0xFFFFF086;
	s6 =	sadd.s32 @!p0 s3, s7;
	s7 =	simm.s32 @!p0 $0x108  }
0x21: {  	s3 =	sadd.s32 s3, s9;
	s6 =	sadd.s32 @!p0 $0x88, s6;
	s7 =	simm.s32 @p2 $0x1082  }
0x22: {  	[simem:s7], [sflag:s8] =	dma.local @!p0 [hbm:s6], $0xF7A  }
0x23: {  	s9 =	sor.u32 $0xD0000000, s2;
	s6 =	simm.s32 $0x108;
	_ =	swait.ge @!p0 [sflag:s8], $0x0  }
0x24: {  	s3 =	sadd.s32 $0x88, s3;
	s6 =	simm.s32 @!p1 $0x1082;
	[sflag:s4] =	ssyncset.s32 $0xFFFFF086  }
0x25: {  	[simem:s6], [sflag:s4] =	dma.local [hbm:s3], $0xF7A  }
0x26: {  	[smem:$0x3F97] =	sst s1;
	(tag) =	ssettag s2;
	_ =	strace s9  }
0x27: {  	s1 =	sld [smem:$0x3FA7]  }
0x28: {  	s2 =	sld [smem:$0x3FA8]  }
0x29: {  	s4 =	sld [smem:$0x3FAA]  }
0x2a: {  	p0 =	seq.s32 s5, $0x0;
	s5 =	sld [smem:$0x3FAB]  }
0x2b: {  	s6 =	sld [smem:$0x3FAC]  }
0x2c: {  	s7 =	sld [smem:$0x3FAD]  }
0x2d: {  	s3 =	simm.s32 $0x108;
	s8 =	sld [smem:$0x3FAE]  }
0x2e: {  	s3 =	simm.s32 @!p0 $0x1082;
	s9 =	sld [smem:$0x3FAF]  }
0x2f: {  	lr =	sadd.s32 s0, s3;
	s0 =	sld [smem:$0x3FA6]  }
0x30: {  	s3 =	sld [smem:$0x3FA9]  }
0x31: {  	[smem:$0x3FB2] =	sst s10  }
0x32: {  	s10 =	sld [smem:$0x3FB0];
	_ =	sdelay $0x3  }
0x33: {  	p0 =	seq.s32 s10, $0x1;
	s10 =	sld [smem:$0x3FB2];
	_ =	sdelay $0x3  }
0x34: {  	[smem:$0x3FB2] =	sst s10  }
0x35: {  	s10 =	sld [smem:$0x3FB1];
	_ =	sdelay $0x3  }
0x36: {  	p1 =	seq.s32 s10, $0x1;
	s10 =	sld [smem:$0x3FB2];
	_ =	sdelay $0x3  }
0x37: {  	[smem:$0x3FB2] =	sst s10  }
0x38: {  	s10 =	sld [smem:$0x3FB3]  }
0x39: {  	_ = 	snop;
	(pc) =	sbr.ind lr, $3  }
0x3a: {  	_ = 	snop  }
0x3b: {  	_ = 	snop  }
0x3c: {  	p2 =	seq.s32 s10, $0x1;
	s10 =	sld [smem:$0x3FB2]  }
0x3d: {  	_ =	shalt  }
0x3e: {  	_ =	shalt  }
0x3f: {  	_ =	shalt  }
0x40: {  	_ =	shalt  }
0x41: {  	_ =	shalt  }
0x42: {  	_ =	shalt  }
0x43: {  	_ =	shalt  }
0x44: {  	_ =	shalt  }
0x45: {  	_ =	shalt  }
0x46: {  	_ =	shalt  }
0x47: {  	_ =	shalt  }
0x48: {  	_ =	shalt  }
0x49: {  	_ =	shalt  }
0x4a: {  	_ =	shalt  }
0x4b: {  	_ =	shalt  }
0x4c: {  	_ =	shalt  }
0x4d: {  	_ =	shalt  }
0x4e: {  	_ =	shalt  }
0x4f: {  	_ =	shalt  }
0x50: {  	_ =	shalt  }
0x51: {  	_ =	shalt  }
0x52: {  	_ =	shalt  }
0x53: {  	_ =	shalt  }
0x54: {  	_ =	shalt  }
0x55: {  	_ =	shalt  }
0x56: {  	_ =	shalt  }
0x57: {  	_ =	shalt  }
0x58: {  	_ =	shalt  }
0x59: {  	_ =	shalt  }
0x5a: {  	_ =	shalt  }
0x5b: {  	_ =	shalt  }
0x5c: {  	_ =	shalt  }
0x5d: {  	_ =	shalt  }
0x5e: {  	_ =	shalt  }
0x5f: {  	_ =	shalt  }
0x60: {  	_ =	shalt  }
0x61: {  	_ =	shalt  }
0x62: {  	_ =	shalt  }
0x63: {  	_ =	shalt  }
0x64: {  	_ =	shalt  }
0x65: {  	_ =	shalt  }
0x66: {  	_ =	shalt  }
0x67: {  	_ =	shalt  }
0x68: {  	_ =	shalt  }
0x69: {  	_ =	shalt  }
0x6a: {  	_ =	shalt  }
0x6b: {  	_ =	shalt  }
0x6c: {  	_ =	shalt  }
0x6d: {  	_ =	shalt  }
0x6e: {  	_ =	shalt  }
0x6f: {  	_ =	shalt  }
0x70: {  	_ =	shalt  }
0x71: {  	_ =	shalt  }
0x72: {  	_ =	shalt  }
0x73: {  	_ =	shalt  }
0x74: {  	_ =	shalt  }
0x75: {  	_ =	shalt  }
0x76: {  	_ =	shalt  }
0x77: {  	_ =	shalt  }
0x78: {  	_ =	shalt  }
0x79: {  	_ =	shalt  }
0x7a: {  	_ =	shalt  }
0x7b: {  	_ =	shalt  }
0x7c: {  	_ =	shalt  }
0x7d: {  	_ =	shalt  }
0x7e: {  	_ =	shalt  }
0x7f: {  	_ =	shalt  }
0x80: {  	_ =	shalt  }
0x81: {  	_ =	shalt  }
0x82: {  	_ =	shalt  }
0x83: {  	_ =	shalt  }
0x84: {  	_ =	shalt  }
0x85: {  	_ =	shalt  }
0x86: {  	_ =	shalt  }
0x87: {  	_ =	shalt  }
.Lfunc_end0:
.L_simem_size_0:
called_computation.1_lowered:
.L_overlay_start_0:
0x88: {  	s2 =	sld [smem:$0x3FD9]  }
0x89: {  	s3 =	sld [smem:$0x3FFE];
	_ =	sdelay $0x1  }
0x8a: {  	s1 =	srdreg.scid  }
0x8b: {  	s0 =	sand.u32 $0x1, s1  }
0x8c: {  	s14 =	sshll.u32 s0, $0xA;
	s2 =	sadd.s32 s3, s2  }
0x8d: {  	s2 =	sadd.s32 s2, s14  }
0x8e: {  	[smem:$0x3FBE] =	sst s2  }
0x8f: {  	_ = 	snop  }
0x90: {  	s2 =	sld [smem:$0x3FD0];
	_ =	sdelay $0x2  }
0x91: {  	s15 =	simm.s32 $0xA;
	s4 =	simm.s32 $0x10  }
0x92: {  	[smem:s4], [sflag:s15] =	dma.local [hbm:s2], $0x1  }
0x93: {  	_ =	swait.eq [sflag:s15], $0x1  }
0x94: {  	[sflag:s15] =	ssyncset.done $0x0  }
0x95: {  	s16 =	sld [smem:$0x10];
	[sflag:s15] =	ssyncadd.s32 $0xFFFFFFFF  }
0x96: {  	s17 =	sld [smem:$0x11];
	(tm) =	ssettm $0x1  }
0x97: {  	s18 =	sld [smem:$0x3FFB];
	_ =	sdelay $0x3  }
0x98: {  	_ =	strace s18  }
0x99: {  	s4 =	sld [smem:$0x3FFC];
	_ =	sdelay $0x3  }
0x9a: {  	_ =	strace s4  }
0x9b: {  	s4 =	sld [smem:$0x3FFD];
	_ =	sdelay $0x3  }
0x9c: {  	_ =	strace s4  }
0x9d: {  	_ =	strace $0x8FFFFFFF  }
0x9e: {  	s19 =	sld [smem:$0x3FDB];
	_ =	sdelay $0x1  }
0x9f: {  	s5 =	simm.s32 $_scs_section_size  }
0xa0: {  	s6 =	simm.s32 $_size__tile_overlayer_lowered;
	s7 =	simm.s32 $_tile_overlayer_lowered  }
0xa1: {  	s22 =	simm.s32 $0x1BFF;
	s21 =	sshll.u32 s7, $0x1;
	s4 =	sadd.s32 s5, s19  }
0xa2: {  	s8 =	simm.s32 $0x0;
	s20 =	sshll.u32 s6, $0x1;
	s6 =	sadd.s32 s21, s4  }
0xa3: {  	[timem:s8], [sflag:s22] =	dma.local [hbm:s6], s20  }
0xa4: {  	_ =	swait.ge [sflag:s22], s20  }
0xa5: {  	s5 =	ssub.s32 $0x0, s20;
	[sflag:s22] =	ssyncset.done $0x0  }
0xa6: {  	[sflag:s22] =	ssyncadd.s32 s5;
	_ =	sdelay $0x1  }
0xa7: {  	s23 =	simm.s32 $0x1B8B  }
0xa8: {  	_ =	swait.ge [sflag:s23], $0x1  }
0xa9: {  	[sflag:s23] =	ssyncset.done $0x0  }
0xaa: {  	s25 =	simm.s32 $0x1B8E;
	s24 =	sld [smem:$0x3FFE];
	[sflag:s23] =	ssyncadd.s32 $0xFFFFFFFF  }
0xab: {  	s26 =	simm.s32 $execute0_lowered;
	[smem:$0x3FD2] =	sst s25  }
0xac: {  	s6 =	sshll.u32 s26, $0x1;
	_ =	strace $0x80000049;
	[dreg:$0x1] =	wrdreg $0xFFFFFFFF  }
0xad: {  	s28 =	simm.s32 $_size_execute0_lowered;
	s4 =	sadd.s32 s4, s6;
	[dreg:$0x0] =	wrdreg $0x0  }
0xae: {  	s6 =	sshll.u32 s28, $0x1;
	[dreg:$0x2] =	wrdreg s4  }
0xaf: {  	[dreg:$0x3] =	wrdreg s6  }
0xb0: {  	[dreg:$0x4] =	wrdreg $0xC0  }
0xb1: {  	_ =	task [dreg:s8], $0x5FFFF  }
0xb2: {  	[dreg:$0x1] =	wrdreg $0xFFFFFFFF  }
0xb3: {  	[dreg:$0x0] =	wrdreg $0x60  }
0xb4: {  	[dreg:$0x2] =	wrdreg s24  }
0xb5: {  	[dreg:$0x3] =	wrdreg s16  }
0xb6: {  	[dreg:$0x4] =	wrdreg s17  }
0xb7: {  	[dreg:$0x5] =	wrdreg $0x8B000  }
0xb8: {  	[dreg:$0x6] =	wrdreg $0x9  }
0xb9: {  	_ =	task.clear_ibuf [dreg:s8], $0x7FFFF;
	_ =	strace $0x90000049  }
0xba: {  	s29 =	simm.s32 $0x9;
	_ =	strace $0x8000004B  }
0xbb: {  	_ =	swait.ge [sflag:s29], $0x1  }
0xbc: {  	[sflag:s29] =	ssyncadd.s32 $0xFFFFFFFF  }
0xbd: {  	_ =	strace $0x9000004B  }
0xbe: {  	_ =	sfence  }
0xbf: {  	s30 =	sld [smem:$0x0];
	_ =	sdelay $0x2  }
0xc0: {  	s31 =	sshll.u32 s1, $0xD;
	s1 =	sshrl.u32 s1, $0x2  }
0xc1: {  	s3 =	sand.u32 $0x4000, s31;
	s1 =	sadd.s32 s1, s30  }
0xc2: {  	s0 =	sor.u32 s3, s0;
	s1 =	sshll.u32 s1, $0x11  }
0xc3: {  	s0 =	sor.u32 s1, s0  }
0xc4: {  	s0 =	sadd.s32 $0x8F2B, s0  }
0xc5: {  	[sflag:s0] =	ssyncadd.remote.s32 $0x1  }
0xc6: {  	_ =	sfence.sel $0xFFFF  }
0xc7: {  	[dreg:$0x0] =	wrdreg $0xFFFFFFFF;
	(pc) =	sbr.abs _section_cstart, $3  }
0xc8: {  	[dreg:$0x1] =	wrdreg $0xFFFFFFFF  }
0xc9: {  	_ =	task.clear_ibuf [dreg:s8], $0x2FFFF;
	_ =	strace $0x9FFFFFFF  }
0xca: {  	(tm) =	ssettm $0x7FFFFFFF  }
0xcb: {  	_ =	shalt  }
tec
execute0_lowered:
.L_overlay_start_1:
0x0: {  	(tag) =	ssettag $0x1  }
0x1: {  	s0 =	rddreg [dreg:$0x0]  }
0x2: {  	s14 =	rddreg [dreg:$0x1]  }
0x3: {  	s9 =	rddreg [dreg:$0x2]  }
0x4: {  	s1 =	rddreg [dreg:$0x3];
	s2 =	srdreg.scid  }
0x5: {  	s3 =	simm.s32 $0x0;
	s20 =	stileid.u32;
	s17 =	simm.s32 $0x100  }
0x6: {  	s18 =	simm.s32 $0x80;
	s19 =	simm.s32 $0x300;
	s28 =	simm.s32 $0x8300  }
0x7: {  	s29 =	simm.s32 $0x0;
	s6 =	sand.u32 $0x1, s2;
	s7 =	smul.u32 $0x4F000, s20  }
0x8: {  	[smem:$0x7FF] =	sst s3;
	s13 =	sadd.s32 $0x3800, s0;
	s12 =	smul.u32 $0x13C00, s20  }
0x9: {  	s23 =	sshll.u32 s20, $0x6;
	s25 =	smul.u32 $0x2710, s20;
	s4 =	sshll.u32 s6, $0x4  }
0xa: {  	_ =	strace $0x8000004A;
	s21 =	ssub.s32 $0x2, s6;
	s10 =	smul.u32 $0x13C000, s6  }
0xb: {  	s22 =	smul.u32 $0x27100, s6;
	s6 =	sor.u32 $0x1C03, s23;
	s23 =	simm.s32 $0x2  }
0xc: {  	s5 =	sor.u32 s20, s4;
	s4 =	sadd.s32 $0xD600, s0;
	s0 =	sadd.s32 $0x5BA00, s0  }
0xd: {  	s11 =	sshrl.u32 s21, $0x1;
	s7 =	sshrl.u32 s7, $0x2;
	s20 =	simm.s32 $0x4300  }
0xe: {  	s8 =	smul.u32 $0x2710, s5;
	[dreg:$0x5] =	wrdreg s0;
	s0 =	ssub.s32 s21, s11  }
0xf: {  	s15 =	sadd.s32 s7, s1;
	s10 =	sadd.s32 s12, s10;
	s11 =	sadd.s32 s25, s22  }
0x10: {  	s21 =	simm.s32 $0x180;
	s22 =	simm.s32 $0x1;
	s25 =	simm.s32 $0x280  }
0x11: {  	s10 =	sshrl.u32 s10, $0x3;
	s26 =	sadd.s32 $0x80, s11;
	s31 =	sshrl.u32 s11, $0x3  }
0x12: {  	s15 =	sshrl.u32 s15, $0x3;
	s24 =	sshrl.u32 s8, $0x3;
	s9 =	sadd.s32 s9, s10  }
0x13: {  	s10 =	smax.u32 s0, $0x1;
	s30 =	sshrl.u32 s26, $0x3;
	s26 =	simm.s32 $0x10  }
0x14: {  	s16 =	sadd.s32 $0x4E0, s24;
	s11 =	sadd.s32 s30, s13;
	s12 =	sadd.s32 s30, s14  }
0x15: {  	s24 =	simm.s32 $0x200;
	s7 =	sadd.s32 s14, s16;
	s8 =	sadd.s32 s13, s16  }
0x16: {  	s13 =	sadd.s32 s31, s13;
	s14 =	sadd.s32 s31, s14;
	s16 =	simm.s32 $0x3  }
.LBB2_1:
0x17: {  	s0 =	rddreg [dreg:$0x5]  }
0x18: {  	[spmem:s15], [sflag:s6] =	dma.local [hbm:s0], $0x2780  }
0x19: {  	_ =	swait.ge [sflag:s16], $0x2780  }
0x1a: {  	[sflag:s16] =	ssyncset.done $0x0  }
0x1b: {  	[sflag:s16] =	ssyncadd.s32 $0xFFFFD880  }
0x1c: {  	s2 =	sadd.s32 $0x0, s14;
	[bflag:$0x0] =	sbarrier.arrive $0xFFFF  }
0x1d: {  	[tilespmem:s3], [sflag:$0x3] =	stream.linear.gather [hbm4b:s2+s3], $0x80, $0x38;
	[tilespmem:$0x1C700] =	vst v63  }
0x1e: {  	_ =	swait.ge [sflag:s16], $0x80  }
0x1f: {  	[sflag:s16] =	ssyncset.done $0x0  }
0x20: {  	s5 =	sadd.s32 $0x0, s12;
	[sflag:s16] =	ssyncadd.s32 $0xFFFFFF80  }
0x21: {  	[tilespmem:s17], [sflag:$0x3] =	stream.linear.gather [hbm4b:s5+s3], $0x80, $0x38;
	[tilespmem:$0x1C700] =	vst v63  }
0x22: {  	_ =	swait.ge [sflag:s16], $0x80  }
0x23: {  	[sflag:s16] =	ssyncset.done $0x0  }
0x24: {  	[sflag:s16] =	ssyncadd.s32 $0xFFFFFF80  }
0x25: {  	[tilespmem:s19], [sflag:$0x1] =	stream.indirect.gather [hbm4b:s4+s18], $0x80, s3, s18, $0xb8;
	[tilespmem:$0x1C700] =	vst v63  }
0x26: {  	_ = 	snop  }
0x27: {  	[tilespmem:s20], [sflag:$0x2] =	stream.indirect.gather [hbm4b:s4+s18], $0x80, s17, s18, $0xb8;
	[tilespmem:$0x1C700] =	vst v63  }
0x28: {  	s2 =	sadd.s32 $0x0, s13  }
0x29: {  	[tilespmem:s18], [sflag:$0x3] =	stream.linear.gather [hbm4b:s2+s3], $0x80, $0x38;
	[tilespmem:$0x1C700] =	vst v63  }
0x2a: {  	_ =	swait.ge [sflag:s16], $0x80  }
0x2b: {  	[sflag:s16] =	ssyncset.done $0x0  }
0x2c: {  	s5 =	sadd.s32 $0x0, s11;
	[sflag:s16] =	ssyncadd.s32 $0xFFFFFF80  }
0x2d: {  	[tilespmem:s21], [sflag:$0x3] =	stream.linear.gather [hbm4b:s5+s3], $0x80, $0x38;
	[tilespmem:$0x1C700] =	vst v63  }
0x2e: {  	_ =	swait.ge [sflag:s16], $0x80  }
0x2f: {  	[sflag:s16] =	ssyncset.done $0x0  }
0x30: {  	[sflag:s16] =	ssyncadd.s32 $0xFFFFFF80  }
0x31: {  	_ =	swait.ge [sflag:s22], $0x4000  }
0x32: {  	[sflag:s22] =	ssyncset.done $0x0  }
0x33: {  	[sflag:s22] =	ssyncadd.s32 $0xFFFFC000  }
0x34: {  	[spmem:s1] =	stream.indirect.scatter.add.f32 [tilespmem:s19], [sflag:$0x3], $0x80, s18, s18, $0xb8;
	[tilespmem:$0x1C700] =	vst v63  }
0x35: {  	_ =	swait.ge [sflag:s16], $0x4000  }
0x36: {  	[sflag:s16] =	ssyncset.done $0x0  }
0x37: {  	[sflag:s16] =	ssyncadd.s32 $0xFFFFC000  }
0x38: {  	_ =	swait.ge [sflag:s23], $0x4000  }
0x39: {  	[sflag:s23] =	ssyncset.done $0x0  }
0x3a: {  	[sflag:s23] =	ssyncadd.s32 $0xFFFFC000  }
0x3b: {  	[spmem:s1] =	stream.indirect.scatter.add.f32 [tilespmem:s20], [sflag:$0x3], $0x80, s21, s18, $0xb8;
	[tilespmem:$0x1C700] =	vst v63  }
0x3c: {  	_ =	swait.ge [sflag:s16], $0x4000  }
0x3d: {  	s30 =	simm.s32 $0x20;
	s31 =	simm.s32 $0x40;
	[sflag:s16] =	ssyncset.done $0x0  }
.LBB2_2:
0x3e: {  	s2 =	sadd.s32 s30, s14  }
0x3f: {  	[sflag:s16] =	ssyncadd.s32 $0xFFFFC000;
	s5 =	smov.u32 s31;
	s0 =	sadd.s32 $0x20, s31  }
0x40: {  	[tilespmem:s3], [sflag:$0x3] =	stream.linear.gather [hbm4b:s2+s3], $0x80, $0x38;
	[tilespmem:$0x1C700] =	vst v63  }
0x41: {  	p0 =	sne.s32 s31, $0x4C0;
	_ =	swait.ge [sflag:s16], $0x80  }
0x42: {  	[sflag:s16] =	ssyncset.done $0x0  }
0x43: {  	s2 =	sadd.s32 s30, s12;
	[sflag:s16] =	ssyncadd.s32 $0xFFFFFF80  }
0x44: {  	[tilespmem:s17], [sflag:$0x3] =	stream.linear.gather [hbm4b:s2+s3], $0x80, $0x38;
	[tilespmem:$0x1C700] =	vst v63  }
0x45: {  	_ =	swait.ge [sflag:s16], $0x80  }
0x46: {  	[sflag:s16] =	ssyncset.done $0x0  }
0x47: {  	[sflag:s16] =	ssyncadd.s32 $0xFFFFFF80  }
0x48: {  	[tilespmem:s19], [sflag:$0x1] =	stream.indirect.gather [hbm4b:s4+s18], $0x80, s3, s18, $0xb8;
	[tilespmem:$0x1C700] =	vst v63  }
0x49: {  	_ = 	snop  }
0x4a: {  	[tilespmem:s20], [sflag:$0x2] =	stream.indirect.gather [hbm4b:s4+s18], $0x80, s17, s18, $0xb8;
	[tilespmem:$0x1C700] =	vst v63  }
0x4b: {  	s2 =	sadd.s32 s30, s13  }
0x4c: {  	[tilespmem:s18], [sflag:$0x3] =	stream.linear.gather [hbm4b:s2+s3], $0x80, $0x38;
	[tilespmem:$0x1C700] =	vst v63  }
0x4d: {  	_ =	swait.ge [sflag:s16], $0x80  }
0x4e: {  	[sflag:s16] =	ssyncset.done $0x0  }
0x4f: {  	s2 =	sadd.s32 s30, s11;
	s30 =	smov.u32 s5;
	[sflag:s16] =	ssyncadd.s32 $0xFFFFFF80  }
0x50: {  	[tilespmem:s21], [sflag:$0x3] =	stream.linear.gather [hbm4b:s2+s3], $0x80, $0x38;
	[tilespmem:$0x1C700] =	vst v63  }
0x51: {  	_ =	swait.ge [sflag:s16], $0x80  }
0x52: {  	[sflag:s16] =	ssyncset.done $0x0  }
0x53: {  	[sflag:s16] =	ssyncadd.s32 $0xFFFFFF80  }
0x54: {  	_ =	swait.ge [sflag:s22], $0x4000  }
0x55: {  	[sflag:s22] =	ssyncset.done $0x0  }
0x56: {  	[sflag:s22] =	ssyncadd.s32 $0xFFFFC000  }
0x57: {  	[spmem:s1] =	stream.indirect.scatter.add.f32 [tilespmem:s19], [sflag:$0x3], $0x80, s18, s18, $0xb8;
	[tilespmem:$0x1C700] =	vst v63  }
0x58: {  	_ =	swait.ge [sflag:s16], $0x4000  }
0x59: {  	[sflag:s16] =	ssyncset.done $0x0  }
0x5a: {  	[sflag:s16] =	ssyncadd.s32 $0xFFFFC000  }
0x5b: {  	_ =	swait.ge [sflag:s23], $0x4000  }
.Ltmp0:
0x5c: {  	[sflag:s23] =	ssyncset.done $0x0;
	(pc) =	sbr.rel @p0 .LBB2_2-.Ltmp0, $4  }
0x5d: {  	[sflag:s23] =	ssyncadd.s32 $0xFFFFC000  }
0x5e: {  	[spmem:s1] =	stream.indirect.scatter.add.f32 [tilespmem:s20], [sflag:$0x3], $0x80, s21, s18, $0xb8;
	[tilespmem:$0x1C700] =	vst v63  }
0x5f: {  	_ =	swait.ge [sflag:s16], $0x4000  }
0x60: {  	s31 =	smov.u32 s0;
	[sflag:s16] =	ssyncset.done $0x0  }
0x61: {  	s0 =	sadd.s32 s30, s14;
	[sflag:s16] =	ssyncadd.s32 $0xFFFFC000  }
0x62: {  	[tilespmem:s3], [sflag:$0x3] =	stream.linear.gather [hbm4b:s0+s3], $0x80, $0x38;
	[tilespmem:$0x1C700] =	vst v63  }
0x63: {  	_ =	swait.ge [sflag:s16], $0x80  }
0x64: {  	[sflag:s16] =	ssyncset.done $0x0  }
0x65: {  	s2 =	sadd.s32 s30, s12;
	[sflag:s16] =	ssyncadd.s32 $0xFFFFFF80  }
0x66: {  	[tilespmem:s17], [sflag:$0x3] =	stream.linear.gather [hbm4b:s2+s3], $0x80, $0x38;
	[tilespmem:$0x1C700] =	vst v63  }
0x67: {  	_ =	swait.ge [sflag:s16], $0x80  }
0x68: {  	[sflag:s16] =	ssyncset.done $0x0  }
0x69: {  	[sflag:s16] =	ssyncadd.s32 $0xFFFFFF80  }
0x6a: {  	[tilespmem:s19], [sflag:$0x1] =	stream.indirect.gather [hbm4b:s4+s18], $0x80, s3, s18, $0xb8;
	[tilespmem:$0x1C700] =	vst v63  }
0x6b: {  	_ = 	snop  }
0x6c: {  	[tilespmem:s20], [sflag:$0x2] =	stream.indirect.gather [hbm4b:s4+s18], $0x80, s17, s18, $0xb8;
	[tilespmem:$0x1C700] =	vst v63  }
0x6d: {  	s5 =	sadd.s32 s30, s13  }
0x6e: {  	[tilespmem:s18], [sflag:$0x3] =	stream.linear.gather [hbm4b:s5+s3], $0x80, $0x38;
	[tilespmem:$0x1C700] =	vst v63  }
0x6f: {  	_ =	swait.ge [sflag:s16], $0x80  }
0x70: {  	[sflag:s16] =	ssyncset.done $0x0  }
0x71: {  	s31 =	sadd.s32 s30, s11;
	[sflag:s16] =	ssyncadd.s32 $0xFFFFFF80  }
0x72: {  	[tilespmem:s21], [sflag:$0x3] =	stream.linear.gather [hbm4b:s31+s3], $0x80, $0x38;
	[tilespmem:$0x1C700] =	vst v63  }
0x73: {  	_ =	swait.ge [sflag:s16], $0x80  }
0x74: {  	[sflag:s16] =	ssyncset.done $0x0  }
0x75: {  	[sflag:s16] =	ssyncadd.s32 $0xFFFFFF80  }
0x76: {  	_ =	swait.ge [sflag:s22], $0x4000  }
0x77: {  	[sflag:s22] =	ssyncset.done $0x0  }
0x78: {  	[sflag:s22] =	ssyncadd.s32 $0xFFFFC000  }
0x79: {  	[spmem:s1] =	stream.indirect.scatter.add.f32 [tilespmem:s19], [sflag:$0x3], $0x80, s18, s18, $0xb8;
	[tilespmem:$0x1C700] =	vst v63  }
0x7a: {  	_ =	swait.ge [sflag:s16], $0x4000  }
0x7b: {  	[sflag:s16] =	ssyncset.done $0x0  }
0x7c: {  	[sflag:s16] =	ssyncadd.s32 $0xFFFFC000  }
0x7d: {  	_ =	swait.ge [sflag:s23], $0x4000  }
0x7e: {  	[sflag:s23] =	ssyncset.done $0x0  }
0x7f: {  	[sflag:s23] =	ssyncadd.s32 $0xFFFFC000  }
0x80: {  	[spmem:s1] =	stream.indirect.scatter.add.f32 [tilespmem:s20], [sflag:$0x3], $0x80, s21, s18, $0xb8;
	[tilespmem:$0x1C700] =	vst v63  }
0x81: {  	_ =	swait.ge [sflag:s16], $0x4000  }
0x82: {  	[sflag:s16] =	ssyncset.done $0x0  }
0x83: {  	[sflag:s16] =	ssyncadd.s32 $0xFFFFC000  }
0x84: {  	[tilespmem:s24], [sflag:$0x3] =	stream.linear.gather [hbm4b:s7+s3], $0x10, $0x38;
	[tilespmem:$0x1C700] =	vst v63  }
0x85: {  	_ =	swait.ge [sflag:s16], $0x10  }
0x86: {  	[sflag:s16] =	ssyncset.done $0x0  }
0x87: {  	[sflag:s16] =	ssyncadd.s32 $0xFFFFFFF0  }
0x88: {  	[tilespmem:s25], [sflag:$0x3] =	stream.linear.gather [hbm4b:s8+s3], $0x10, $0x38;
	[tilespmem:$0x1C700] =	vst v63  }
0x89: {  	_ =	swait.ge [sflag:s16], $0x10  }
0x8a: {  	[sflag:s16] =	ssyncset.done $0x0  }
0x8b: {  	[sflag:s16] =	ssyncadd.s32 $0xFFFFFFF0  }
0x8c: {  	[tilespmem:s28], [sflag:$0x1] =	stream.indirect.gather [hbm4b:s4+s26], $0x80, s24, s26, $0xb8;
	[tilespmem:$0x1C700] =	vst v63  }
0x8d: {  	_ =	swait.ge [sflag:s22], $0x800  }
0x8e: {  	[sflag:s22] =	ssyncset.done $0x0  }
0x8f: {  	[sflag:s22] =	ssyncadd.s32 $0xFFFFF800  }
0x90: {  	[spmem:s1] =	stream.indirect.scatter.add.f32 [tilespmem:s28], [sflag:$0x3], $0x80, s25, s26, $0xb8;
	[tilespmem:$0x1C700] =	vst v63  }
0x91: {  	_ =	swait.ge [sflag:s16], $0x800  }
0x92: {  	s29 =	sadd.s32 $0x1, s29;
	[sflag:s16] =	ssyncset.done $0x0  }
0x93: {  	p0 =	sne.s32 s29, s10;
	[sflag:s16] =	ssyncadd.s32 $0xFFFFF800  }
.Ltmp1:
0x94: {  	[bflag:$0x0] =	sbarrier.arrive $0xFFFF;
	(pc) =	sbr.rel @p0 .LBB2_1-.Ltmp1, $4  }
0x95: {  	[hbm:s9], [sflag:s6] =	dma.local [spmem:s15], $0x2780  }
0x96: {  	_ =	swait.ge [sflag:s16], $0x2780  }
0x97: {  	[sflag:s16] =	ssyncset.done $0x0  }
0x98: {  	[sflag:s16] =	ssyncadd.s32 $0xFFFFD880  }
0x99: {  	_ =	sfence.sel $0x180000  }
0x9a: {  	[bflag:$0x0] =	sbarrier.arrive $0xFFFF  }
0x9b: {  	_ =	strace $0x9000004A  }
0x9c: {  	s0 =	stileid.u32;
	[bflag:$0x2] =	sbarrier.arrive $0xFFFF  }
0x9d: {  	p0 =	sne.s32 s0, $0x0;
	s0 =	rddreg [dreg:$0x4]  }
0x9e: {  	s0 =	sadd.s32 @!p0 $0x100000, s0  }
0x9f: {  	[sflag:s0] =	ssyncadd.tile.s32 @!p0 $0x1;
	_ =	shalt  }
.Lfunc_end2:
_tile_overlayer_lowered:
.L_overlay_start_2:
0xa0: {  	(tag) =	ssettag $0x2  }
0xa1: {  	s0 =	rddreg [dreg:$0x0];
	s2 =	stileid.u32  }
0xa2: {  	s1 =	rddreg [dreg:$0x1];
	p0 =	sne.s32 s2, $0x0  }
0xa3: {  	s3 =	rddreg [dreg:$0x2];
	[bflag:$0x3] =	sbarrier.arrive $0xFFFF;
	s2 =	simm.s32 @!p0 $0x1C03  }
0xa4: {  	[timem:s3], [sflag:s2] =	dma.local @!p0 [hbm:s0], s1  }
0xa5: {  	s0 =	simm.s32 @!p0 $0x3  }
0xa6: {  	_ =	swait.ge @!p0 [sflag:s0], s1  }
0xa7: {  	s1 =	ssub.s32 @!p0 $0x0, s1;
	[sflag:s0] =	ssyncset.done @!p0 $0x0  }
0xa8: {  	[sflag:s0] =	ssyncadd.s32 @!p0 s1  }
0xa9: {  	[bflag:$0x3] =	sbarrier.arrive $0xFFFF  }
0xaa: {  	_ =	shalt  }

// kernel: kernel.16.cloned.1.call-start
scs
__scs_entry_jumppad:
0x0: {  	(pc) =	sbr.rel $0x88, $3  }
0x1: {  	(tag) =	ssettag $0x0;
	lr =	simm.s32 $0x1  }
0x2: {  	[smem:$0x3F97] =	sst lr;
	_ =	strace $0xD0000000  }
0x3: {  	_ = 	snop  }
0x4: {  	_ = 	snop  }
0x5: {  	_ = 	snop  }
0x6: {  	_ = 	snop  }
0x7: {  	_ = 	snop  }
__scs_overlays_trampoline_lowered:
0x8: {  	[smem:$0x3FA6] =	sst s0  }
0x9: {  	[smem:$0x3FA7] =	sst s1  }
0xa: {  	[smem:$0x3FA8] =	sst s2  }
0xb: {  	[smem:$0x3FA9] =	sst s3  }
0xc: {  	[smem:$0x3FAA] =	sst s4  }
0xd: {  	[smem:$0x3FAB] =	sst s5  }
0xe: {  	[smem:$0x3FAC] =	sst s6  }
0xf: {  	[smem:$0x3FAD] =	sst s7  }
0x10: {  	[smem:$0x3FAE] =	sst s8  }
0x11: {  	[smem:$0x3FAF] =	sst s9;
	s0 =	simm.s32 @!p0 $0x0  }
0x12: {  	s1 =	sld [smem:$0x3F95];
	s0 =	simm.s32 @p0 $0x1  }
0x13: {  	[smem:$0x3FB0] =	sst s0;
	s0 =	simm.s32 @!p1 $0x0  }
0x14: {  	s2 =	sld [smem:$0x3F94];
	s0 =	simm.s32 @p1 $0x1  }
0x15: {  	[smem:$0x3FB1] =	sst s0;
	s0 =	simm.s32 @!p2 $0x0  }
0x16: {  	s3 =	sld [smem:$0x3FDB];
	s0 =	simm.s32 @p2 $0x1  }
0x17: {  	s4 =	simm.s32 $0x1BF5;
	[smem:$0x3FB3] =	sst s0  }
0x18: {  	s0 =	sld [smem:$0x3F96];
	_ =	swait.ge [sflag:s4], $0x0  }
0x19: {  	s7 =	sld [smem:$0x3F97]  }
0x1a: {  	s8 =	sadd.s32 $0xFFFFE003, lr  }
0x1b: {  	s9 =	sadd.s32 $0xFFFFFEF7, lr;
	s5 =	simm.s32 $0xFFFFFFFF;
	p2 =	slt.u32 s8, $0xFFFFF086  }
0x1c: {  	p1 =	slt.u32 s9, $0xF7A;
	s5 =	simm.s32 @!p2 $0x0  }
0x1d: {  	s5 =	simm.s32 @p1 $0x1;
	p0 =	seq.s32 s7, s2  }
0x1e: {  	s7 =	smul.u32 @!p0 $0xF7A, s2;
	p2 =	seq.s32 @!p0 s5, $0x0  }
0x1f: {  	s9 =	smul.u32 $0xF7A, s1;
	s8 =	simm.s32 @!p0 $0x1BF5;
	p2 =	por !p2, p0  }
0x20: {  	[sflag:s8] =	ssyncset.s32 @!p0 $0xFFFFF086;
	s6 =	sadd.s32 @!p0 s3, s7;
	s7 =	simm.s32 @!p0 $0x108  }
0x21: {  	s3 =	sadd.s32 s3, s9;
	s6 =	sadd.s32 @!p0 $0x88, s6;
	s7 =	simm.s32 @p2 $0x1082  }
0x22: {  	[simem:s7], [sflag:s8] =	dma.local @!p0 [hbm:s6], $0xF7A  }
0x23: {  	s9 =	sor.u32 $0xD0000000, s2;
	s6 =	simm.s32 $0x108;
	_ =	swait.ge @!p0 [sflag:s8], $0x0  }
0x24: {  	s3 =	sadd.s32 $0x88, s3;
	s6 =	simm.s32 @!p1 $0x1082;
	[sflag:s4] =	ssyncset.s32 $0xFFFFF086  }
0x25: {  	[simem:s6], [sflag:s4] =	dma.local [hbm:s3], $0xF7A  }
0x26: {  	[smem:$0x3F97] =	sst s1;
	(tag) =	ssettag s2;
	_ =	strace s9  }
0x27: {  	s1 =	sld [smem:$0x3FA7]  }
0x28: {  	s2 =	sld [smem:$0x3FA8]  }
0x29: {  	s4 =	sld [smem:$0x3FAA]  }
0x2a: {  	p0 =	seq.s32 s5, $0x0;
	s5 =	sld [smem:$0x3FAB]  }
0x2b: {  	s6 =	sld [smem:$0x3FAC]  }
0x2c: {  	s7 =	sld [smem:$0x3FAD]  }
0x2d: {  	s3 =	simm.s32 $0x108;
	s8 =	sld [smem:$0x3FAE]  }
0x2e: {  	s3 =	simm.s32 @!p0 $0x1082;
	s9 =	sld [smem:$0x3FAF]  }
0x2f: {  	lr =	sadd.s32 s0, s3;
	s0 =	sld [smem:$0x3FA6]  }
0x30: {  	s3 =	sld [smem:$0x3FA9]  }
0x31: {  	[smem:$0x3FB2] =	sst s10  }
0x32: {  	s10 =	sld [smem:$0x3FB0];
	_ =	sdelay $0x3  }
0x33: {  	p0 =	seq.s32 s10, $0x1;
	s10 =	sld [smem:$0x3FB2];
	_ =	sdelay $0x3  }
0x34: {  	[smem:$0x3FB2] =	sst s10  }
0x35: {  	s10 =	sld [smem:$0x3FB1];
	_ =	sdelay $0x3  }
0x36: {  	p1 =	seq.s32 s10, $0x1;
	s10 =	sld [smem:$0x3FB2];
	_ =	sdelay $0x3  }
0x37: {  	[smem:$0x3FB2] =	sst s10  }
0x38: {  	s10 =	sld [smem:$0x3FB3]  }
0x39: {  	_ = 	snop;
	(pc) =	sbr.ind lr, $3  }
0x3a: {  	_ = 	snop  }
0x3b: {  	_ = 	snop  }
0x3c: {  	p2 =	seq.s32 s10, $0x1;
	s10 =	sld [smem:$0x3FB2]  }
0x3d: {  	_ =	shalt  }
0x3e: {  	_ =	shalt  }
0x3f: {  	_ =	shalt  }
0x40: {  	_ =	shalt  }
0x41: {  	_ =	shalt  }
0x42: {  	_ =	shalt  }
0x43: {  	_ =	shalt  }
0x44: {  	_ =	shalt  }
0x45: {  	_ =	shalt  }
0x46: {  	_ =	shalt  }
0x47: {  	_ =	shalt  }
0x48: {  	_ =	shalt  }
0x49: {  	_ =	shalt  }
0x4a: {  	_ =	shalt  }
0x4b: {  	_ =	shalt  }
0x4c: {  	_ =	shalt  }
0x4d: {  	_ =	shalt  }
0x4e: {  	_ =	shalt  }
0x4f: {  	_ =	shalt  }
0x50: {  	_ =	shalt  }
0x51: {  	_ =	shalt  }
0x52: {  	_ =	shalt  }
0x53: {  	_ =	shalt  }
0x54: {  	_ =	shalt  }
0x55: {  	_ =	shalt  }
0x56: {  	_ =	shalt  }
0x57: {  	_ =	shalt  }
0x58: {  	_ =	shalt  }
0x59: {  	_ =	shalt  }
0x5a: {  	_ =	shalt  }
0x5b: {  	_ =	shalt  }
0x5c: {  	_ =	shalt  }
0x5d: {  	_ =	shalt  }
0x5e: {  	_ =	shalt  }
0x5f: {  	_ =	shalt  }
0x60: {  	_ =	shalt  }
0x61: {  	_ =	shalt  }
0x62: {  	_ =	shalt  }
0x63: {  	_ =	shalt  }
0x64: {  	_ =	shalt  }
0x65: {  	_ =	shalt  }
0x66: {  	_ =	shalt  }
0x67: {  	_ =	shalt  }
0x68: {  	_ =	shalt  }
0x69: {  	_ =	shalt  }
0x6a: {  	_ =	shalt  }
0x6b: {  	_ =	shalt  }
0x6c: {  	_ =	shalt  }
0x6d: {  	_ =	shalt  }
0x6e: {  	_ =	shalt  }
0x6f: {  	_ =	shalt  }
0x70: {  	_ =	shalt  }
0x71: {  	_ =	shalt  }
0x72: {  	_ =	shalt  }
0x73: {  	_ =	shalt  }
0x74: {  	_ =	shalt  }
0x75: {  	_ =	shalt  }
0x76: {  	_ =	shalt  }
0x77: {  	_ =	shalt  }
0x78: {  	_ =	shalt  }
0x79: {  	_ =	shalt  }
0x7a: {  	_ =	shalt  }
0x7b: {  	_ =	shalt  }
0x7c: {  	_ =	shalt  }
0x7d: {  	_ =	shalt  }
0x7e: {  	_ =	shalt  }
0x7f: {  	_ =	shalt  }
0x80: {  	_ =	shalt  }
0x81: {  	_ =	shalt  }
0x82: {  	_ =	shalt  }
0x83: {  	_ =	shalt  }
0x84: {  	_ =	shalt  }
0x85: {  	_ =	shalt  }
0x86: {  	_ =	shalt  }
0x87: {  	_ =	shalt  }
.Lfunc_end0:
.L_simem_size_0:
called_computation.2_lowered:
.L_overlay_start_0:
0x88: {  	s2 =	sld [smem:$0x3FD9]  }
0x89: {  	s3 =	sld [smem:$0x3FFE];
	_ =	sdelay $0x1  }
0x8a: {  	s1 =	srdreg.scid  }
0x8b: {  	s0 =	sand.u32 $0x1, s1  }
0x8c: {  	s14 =	sshll.u32 s0, $0xA;
	s2 =	sadd.s32 s3, s2  }
0x8d: {  	s2 =	sadd.s32 s2, s14  }
0x8e: {  	[smem:$0x3FBE] =	sst s2  }
0x8f: {  	_ = 	snop  }
0x90: {  	s2 =	sld [smem:$0x3FD0];
	_ =	sdelay $0x2  }
0x91: {  	s15 =	simm.s32 $0xA;
	s4 =	simm.s32 $0x10  }
0x92: {  	[smem:s4], [sflag:s15] =	dma.local [hbm:s2], $0x1  }
0x93: {  	_ =	swait.eq [sflag:s15], $0x1  }
0x94: {  	[sflag:s15] =	ssyncset.done $0x0  }
0x95: {  	s16 =	sld [smem:$0x10];
	[sflag:s15] =	ssyncadd.s32 $0xFFFFFFFF  }
0x96: {  	s17 =	sld [smem:$0x11];
	(tm) =	ssettm $0x1  }
0x97: {  	s18 =	sld [smem:$0x3FFB];
	_ =	sdelay $0x3  }
0x98: {  	_ =	strace s18  }
0x99: {  	s4 =	sld [smem:$0x3FFC];
	_ =	sdelay $0x3  }
0x9a: {  	_ =	strace s4  }
0x9b: {  	s4 =	sld [smem:$0x3FFD];
	_ =	sdelay $0x3  }
0x9c: {  	_ =	strace s4  }
0x9d: {  	_ =	strace $0x8FFFFFFF  }
0x9e: {  	s19 =	sld [smem:$0x3FDB];
	_ =	sdelay $0x1  }
0x9f: {  	s5 =	simm.s32 $_scs_section_size  }
0xa0: {  	s6 =	simm.s32 $_size__tile_overlayer_lowered;
	s7 =	simm.s32 $_tile_overlayer_lowered  }
0xa1: {  	s22 =	simm.s32 $0x1BFF;
	s21 =	sshll.u32 s7, $0x1;
	s4 =	sadd.s32 s5, s19  }
0xa2: {  	s8 =	simm.s32 $0x0;
	s20 =	sshll.u32 s6, $0x1;
	s6 =	sadd.s32 s21, s4  }
0xa3: {  	[timem:s8], [sflag:s22] =	dma.local [hbm:s6], s20  }
0xa4: {  	_ =	swait.ge [sflag:s22], s20  }
0xa5: {  	s5 =	ssub.s32 $0x0, s20;
	[sflag:s22] =	ssyncset.done $0x0  }
0xa6: {  	[sflag:s22] =	ssyncadd.s32 s5;
	_ =	sdelay $0x1  }
0xa7: {  	s23 =	simm.s32 $0x1B8B  }
0xa8: {  	_ =	swait.ge [sflag:s23], $0x1  }
0xa9: {  	[sflag:s23] =	ssyncset.done $0x0  }
0xaa: {  	s25 =	simm.s32 $0x1B8E;
	s24 =	sld [smem:$0x3FFE];
	[sflag:s23] =	ssyncadd.s32 $0xFFFFFFFF  }
0xab: {  	s26 =	simm.s32 $execute0_lowered;
	[smem:$0x3FD2] =	sst s25  }
0xac: {  	s6 =	sshll.u32 s26, $0x1;
	_ =	strace $0x8000004C;
	[dreg:$0x1] =	wrdreg $0xFFFFFFFF  }
0xad: {  	s28 =	simm.s32 $_size_execute0_lowered;
	s4 =	sadd.s32 s4, s6;
	[dreg:$0x0] =	wrdreg $0x0  }
0xae: {  	s6 =	sshll.u32 s28, $0x1;
	[dreg:$0x2] =	wrdreg s4  }
0xaf: {  	[dreg:$0x3] =	wrdreg s6  }
0xb0: {  	[dreg:$0x4] =	wrdreg $0xC0  }
0xb1: {  	_ =	task [dreg:s8], $0x5FFFF  }
0xb2: {  	[dreg:$0x1] =	wrdreg $0xFFFFFFFF  }
0xb3: {  	[dreg:$0x0] =	wrdreg $0x60  }
0xb4: {  	[dreg:$0x2] =	wrdreg s24  }
0xb5: {  	[dreg:$0x3] =	wrdreg s16  }
0xb6: {  	[dreg:$0x4] =	wrdreg s17  }
0xb7: {  	[dreg:$0x5] =	wrdreg $0x8B000  }
0xb8: {  	[dreg:$0x6] =	wrdreg $0x9  }
0xb9: {  	_ =	task.clear_ibuf [dreg:s8], $0x7FFFF;
	_ =	strace $0x9000004C  }
0xba: {  	s29 =	simm.s32 $0x9;
	_ =	strace $0x8000004E  }
0xbb: {  	_ =	swait.ge [sflag:s29], $0x1  }
0xbc: {  	[sflag:s29] =	ssyncadd.s32 $0xFFFFFFFF  }
0xbd: {  	_ =	strace $0x9000004E  }
0xbe: {  	_ =	sfence  }
0xbf: {  	s30 =	sld [smem:$0x0];
	_ =	sdelay $0x2  }
0xc0: {  	s31 =	sshll.u32 s1, $0xD;
	s1 =	sshrl.u32 s1, $0x2  }
0xc1: {  	s3 =	sand.u32 $0x4000, s31;
	s1 =	sadd.s32 s1, s30  }
0xc2: {  	s0 =	sor.u32 s3, s0;
	s1 =	sshll.u32 s1, $0x11  }
0xc3: {  	s0 =	sor.u32 s1, s0  }
0xc4: {  	s0 =	sadd.s32 $0x8F2B, s0  }
0xc5: {  	[sflag:s0] =	ssyncadd.remote.s32 $0x1  }
0xc6: {  	_ =	sfence.sel $0xFFFF  }
0xc7: {  	[dreg:$0x0] =	wrdreg $0xFFFFFFFF;
	(pc) =	sbr.abs _section_cstart, $3  }
0xc8: {  	[dreg:$0x1] =	wrdreg $0xFFFFFFFF  }
0xc9: {  	_ =	task.clear_ibuf [dreg:s8], $0x2FFFF;
	_ =	strace $0x9FFFFFFF  }
0xca: {  	(tm) =	ssettm $0x7FFFFFFF  }
0xcb: {  	_ =	shalt  }
tec
execute0_lowered:
.L_overlay_start_1:
0x0: {  	(tag) =	ssettag $0x1  }
0x1: {  	s0 =	rddreg [dreg:$0x0]  }
0x2: {  	s14 =	rddreg [dreg:$0x1]  }
0x3: {  	s9 =	rddreg [dreg:$0x2]  }
0x4: {  	s1 =	rddreg [dreg:$0x3];
	s2 =	srdreg.scid  }
0x5: {  	s3 =	simm.s32 $0x0;
	s20 =	stileid.u32;
	s17 =	simm.s32 $0x100  }
0x6: {  	s18 =	simm.s32 $0x80;
	s19 =	simm.s32 $0x300;
	s28 =	simm.s32 $0x8300  }
0x7: {  	s29 =	simm.s32 $0x0;
	s6 =	sand.u32 $0x1, s2;
	s7 =	smul.u32 $0x4F000, s20  }
0x8: {  	[smem:$0x7FF] =	sst s3;
	s13 =	sadd.s32 $0x3800, s0;
	s12 =	smul.u32 $0x13C00, s20  }
0x9: {  	s23 =	sshll.u32 s20, $0x6;
	s25 =	smul.u32 $0x2710, s20;
	s4 =	sshll.u32 s6, $0x4  }
0xa: {  	_ =	strace $0x8000004D;
	s21 =	ssub.s32 $0x2, s6;
	s10 =	smul.u32 $0x13C000, s6  }
0xb: {  	s22 =	smul.u32 $0x27100, s6;
	s6 =	sor.u32 $0x1C03, s23;
	s23 =	simm.s32 $0x2  }
0xc: {  	s5 =	sor.u32 s20, s4;
	s4 =	sadd.s32 $0xD600, s0;
	s0 =	sadd.s32 $0x5BA00, s0  }
0xd: {  	s11 =	sshrl.u32 s21, $0x1;
	s7 =	sshrl.u32 s7, $0x2;
	s20 =	simm.s32 $0x4300  }
0xe: {  	s8 =	smul.u32 $0x2710, s5;
	[dreg:$0x5] =	wrdreg s0;
	s0 =	ssub.s32 s21, s11  }
0xf: {  	s15 =	sadd.s32 s7, s1;
	s10 =	sadd.s32 s12, s10;
	s11 =	sadd.s32 s25, s22  }
0x10: {  	s21 =	simm.s32 $0x180;
	s22 =	simm.s32 $0x1;
	s25 =	simm.s32 $0x280  }
0x11: {  	s10 =	sshrl.u32 s10, $0x3;
	s26 =	sadd.s32 $0x80, s11;
	s31 =	sshrl.u32 s11, $0x3  }
0x12: {  	s15 =	sshrl.u32 s15, $0x3;
	s24 =	sshrl.u32 s8, $0x3;
	s9 =	sadd.s32 s9, s10  }
0x13: {  	s10 =	smax.u32 s0, $0x1;
	s30 =	sshrl.u32 s26, $0x3;
	s26 =	simm.s32 $0x10  }
0x14: {  	s16 =	sadd.s32 $0x4E0, s24;
	s11 =	sadd.s32 s30, s13;
	s12 =	sadd.s32 s30, s14  }
0x15: {  	s24 =	simm.s32 $0x200;
	s7 =	sadd.s32 s14, s16;
	s8 =	sadd.s32 s13, s16  }
0x16: {  	s13 =	sadd.s32 s31, s13;
	s14 =	sadd.s32 s31, s14;
	s16 =	simm.s32 $0x3  }
.LBB2_1:
0x17: {  	s0 =	rddreg [dreg:$0x5]  }
0x18: {  	[spmem:s15], [sflag:s6] =	dma.local [hbm:s0], $0x2780  }
0x19: {  	_ =	swait.ge [sflag:s16], $0x2780  }
0x1a: {  	[sflag:s16] =	ssyncset.done $0x0  }
0x1b: {  	[sflag:s16] =	ssyncadd.s32 $0xFFFFD880  }
0x1c: {  	s2 =	sadd.s32 $0x0, s14;
	[bflag:$0x0] =	sbarrier.arrive $0xFFFF  }
0x1d: {  	[tilespmem:s3], [sflag:$0x3] =	stream.linear.gather [hbm4b:s2+s3], $0x80, $0x38;
	[tilespmem:$0x1C700] =	vst v63  }
0x1e: {  	_ =	swait.ge [sflag:s16], $0x80  }
0x1f: {  	[sflag:s16] =	ssyncset.done $0x0  }
0x20: {  	s5 =	sadd.s32 $0x0, s12;
	[sflag:s16] =	ssyncadd.s32 $0xFFFFFF80  }
0x21: {  	[tilespmem:s17], [sflag:$0x3] =	stream.linear.gather [hbm4b:s5+s3], $0x80, $0x38;
	[tilespmem:$0x1C700] =	vst v63  }
0x22: {  	_ =	swait.ge [sflag:s16], $0x80  }
0x23: {  	[sflag:s16] =	ssyncset.done $0x0  }
0x24: {  	[sflag:s16] =	ssyncadd.s32 $0xFFFFFF80  }
0x25: {  	[tilespmem:s19], [sflag:$0x1] =	stream.indirect.gather [hbm4b:s4+s18], $0x80, s3, s18, $0xb8;
	[tilespmem:$0x1C700] =	vst v63  }
0x26: {  	_ = 	snop  }
0x27: {  	[tilespmem:s20], [sflag:$0x2] =	stream.indirect.gather [hbm4b:s4+s18], $0x80, s17, s18, $0xb8;
	[tilespmem:$0x1C700] =	vst v63  }
0x28: {  	s2 =	sadd.s32 $0x0, s13  }
0x29: {  	[tilespmem:s18], [sflag:$0x3] =	stream.linear.gather [hbm4b:s2+s3], $0x80, $0x38;
	[tilespmem:$0x1C700] =	vst v63  }
0x2a: {  	_ =	swait.ge [sflag:s16], $0x80  }
0x2b: {  	[sflag:s16] =	ssyncset.done $0x0  }
0x2c: {  	s5 =	sadd.s32 $0x0, s11;
	[sflag:s16] =	ssyncadd.s32 $0xFFFFFF80  }
0x2d: {  	[tilespmem:s21], [sflag:$0x3] =	stream.linear.gather [hbm4b:s5+s3], $0x80, $0x38;
	[tilespmem:$0x1C700] =	vst v63  }
0x2e: {  	_ =	swait.ge [sflag:s16], $0x80  }
0x2f: {  	[sflag:s16] =	ssyncset.done $0x0  }
0x30: {  	[sflag:s16] =	ssyncadd.s32 $0xFFFFFF80  }
0x31: {  	_ =	swait.ge [sflag:s22], $0x4000  }
0x32: {  	[sflag:s22] =	ssyncset.done $0x0  }
0x33: {  	[sflag:s22] =	ssyncadd.s32 $0xFFFFC000  }
0x34: {  	[spmem:s1] =	stream.indirect.scatter.add.f32 [tilespmem:s19], [sflag:$0x3], $0x80, s18, s18, $0xb8;
	[tilespmem:$0x1C700] =	vst v63  }
0x35: {  	_ =	swait.ge [sflag:s16], $0x4000  }
0x36: {  	[sflag:s16] =	ssyncset.done $0x0  }
0x37: {  	[sflag:s16] =	ssyncadd.s32 $0xFFFFC000  }
0x38: {  	_ =	swait.ge [sflag:s23], $0x4000  }
0x39: {  	[sflag:s23] =	ssyncset.done $0x0  }
0x3a: {  	[sflag:s23] =	ssyncadd.s32 $0xFFFFC000  }
0x3b: {  	[spmem:s1] =	stream.indirect.scatter.add.f32 [tilespmem:s20], [sflag:$0x3], $0x80, s21, s18, $0xb8;
	[tilespmem:$0x1C700] =	vst v63  }
0x3c: {  	_ =	swait.ge [sflag:s16], $0x4000  }
0x3d: {  	s30 =	simm.s32 $0x20;
	s31 =	simm.s32 $0x40;
	[sflag:s16] =	ssyncset.done $0x0  }
.LBB2_2:
0x3e: {  	s2 =	sadd.s32 s30, s14  }
0x3f: {  	[sflag:s16] =	ssyncadd.s32 $0xFFFFC000;
	s5 =	smov.u32 s31;
	s0 =	sadd.s32 $0x20, s31  }
0x40: {  	[tilespmem:s3], [sflag:$0x3] =	stream.linear.gather [hbm4b:s2+s3], $0x80, $0x38;
	[tilespmem:$0x1C700] =	vst v63  }
0x41: {  	p0 =	sne.s32 s31, $0x4C0;
	_ =	swait.ge [sflag:s16], $0x80  }
0x42: {  	[sflag:s16] =	ssyncset.done $0x0  }
0x43: {  	s2 =	sadd.s32 s30, s12;
	[sflag:s16] =	ssyncadd.s32 $0xFFFFFF80  }
0x44: {  	[tilespmem:s17], [sflag:$0x3] =	stream.linear.gather [hbm4b:s2+s3], $0x80, $0x38;
	[tilespmem:$0x1C700] =	vst v63  }
0x45: {  	_ =	swait.ge [sflag:s16], $0x80  }
0x46: {  	[sflag:s16] =	ssyncset.done $0x0  }
0x47: {  	[sflag:s16] =	ssyncadd.s32 $0xFFFFFF80  }
0x48: {  	[tilespmem:s19], [sflag:$0x1] =	stream.indirect.gather [hbm4b:s4+s18], $0x80, s3, s18, $0xb8;
	[tilespmem:$0x1C700] =	vst v63  }
0x49: {  	_ = 	snop  }
0x4a: {  	[tilespmem:s20], [sflag:$0x2] =	stream.indirect.gather [hbm4b:s4+s18], $0x80, s17, s18, $0xb8;
	[tilespmem:$0x1C700] =	vst v63  }
0x4b: {  	s2 =	sadd.s32 s30, s13  }
0x4c: {  	[tilespmem:s18], [sflag:$0x3] =	stream.linear.gather [hbm4b:s2+s3], $0x80, $0x38;
	[tilespmem:$0x1C700] =	vst v63  }
0x4d: {  	_ =	swait.ge [sflag:s16], $0x80  }
0x4e: {  	[sflag:s16] =	ssyncset.done $0x0  }
0x4f: {  	s2 =	sadd.s32 s30, s11;
	s30 =	smov.u32 s5;
	[sflag:s16] =	ssyncadd.s32 $0xFFFFFF80  }
0x50: {  	[tilespmem:s21], [sflag:$0x3] =	stream.linear.gather [hbm4b:s2+s3], $0x80, $0x38;
	[tilespmem:$0x1C700] =	vst v63  }
0x51: {  	_ =	swait.ge [sflag:s16], $0x80  }
0x52: {  	[sflag:s16] =	ssyncset.done $0x0  }
0x53: {  	[sflag:s16] =	ssyncadd.s32 $0xFFFFFF80  }
0x54: {  	_ =	swait.ge [sflag:s22], $0x4000  }
0x55: {  	[sflag:s22] =	ssyncset.done $0x0  }
0x56: {  	[sflag:s22] =	ssyncadd.s32 $0xFFFFC000  }
0x57: {  	[spmem:s1] =	stream.indirect.scatter.add.f32 [tilespmem:s19], [sflag:$0x3], $0x80, s18, s18, $0xb8;
	[tilespmem:$0x1C700] =	vst v63  }
0x58: {  	_ =	swait.ge [sflag:s16], $0x4000  }
0x59: {  	[sflag:s16] =	ssyncset.done $0x0  }
0x5a: {  	[sflag:s16] =	ssyncadd.s32 $0xFFFFC000  }
0x5b: {  	_ =	swait.ge [sflag:s23], $0x4000  }
.Ltmp0:
0x5c: {  	[sflag:s23] =	ssyncset.done $0x0;
	(pc) =	sbr.rel @p0 .LBB2_2-.Ltmp0, $4  }
0x5d: {  	[sflag:s23] =	ssyncadd.s32 $0xFFFFC000  }
0x5e: {  	[spmem:s1] =	stream.indirect.scatter.add.f32 [tilespmem:s20], [sflag:$0x3], $0x80, s21, s18, $0xb8;
	[tilespmem:$0x1C700] =	vst v63  }
0x5f: {  	_ =	swait.ge [sflag:s16], $0x4000  }
0x60: {  	s31 =	smov.u32 s0;
	[sflag:s16] =	ssyncset.done $0x0  }
0x61: {  	s0 =	sadd.s32 s30, s14;
	[sflag:s16] =	ssyncadd.s32 $0xFFFFC000  }
0x62: {  	[tilespmem:s3], [sflag:$0x3] =	stream.linear.gather [hbm4b:s0+s3], $0x80, $0x38;
	[tilespmem:$0x1C700] =	vst v63  }
0x63: {  	_ =	swait.ge [sflag:s16], $0x80  }
0x64: {  	[sflag:s16] =	ssyncset.done $0x0  }
0x65: {  	s2 =	sadd.s32 s30, s12;
	[sflag:s16] =	ssyncadd.s32 $0xFFFFFF80  }
0x66: {  	[tilespmem:s17], [sflag:$0x3] =	stream.linear.gather [hbm4b:s2+s3], $0x80, $0x38;
	[tilespmem:$0x1C700] =	vst v63  }
0x67: {  	_ =	swait.ge [sflag:s16], $0x80  }
0x68: {  	[sflag:s16] =	ssyncset.done $0x0  }
0x69: {  	[sflag:s16] =	ssyncadd.s32 $0xFFFFFF80  }
0x6a: {  	[tilespmem:s19], [sflag:$0x1] =	stream.indirect.gather [hbm4b:s4+s18], $0x80, s3, s18, $0xb8;
	[tilespmem:$0x1C700] =	vst v63  }
0x6b: {  	_ = 	snop  }
0x6c: {  	[tilespmem:s20], [sflag:$0x2] =	stream.indirect.gather [hbm4b:s4+s18], $0x80, s17, s18, $0xb8;
	[tilespmem:$0x1C700] =	vst v63  }
0x6d: {  	s5 =	sadd.s32 s30, s13  }
0x6e: {  	[tilespmem:s18], [sflag:$0x3] =	stream.linear.gather [hbm4b:s5+s3], $0x80, $0x38;
	[tilespmem:$0x1C700] =	vst v63  }
0x6f: {  	_ =	swait.ge [sflag:s16], $0x80  }
0x70: {  	[sflag:s16] =	ssyncset.done $0x0  }
0x71: {  	s31 =	sadd.s32 s30, s11;
	[sflag:s16] =	ssyncadd.s32 $0xFFFFFF80  }
0x72: {  	[tilespmem:s21], [sflag:$0x3] =	stream.linear.gather [hbm4b:s31+s3], $0x80, $0x38;
	[tilespmem:$0x1C700] =	vst v63  }
0x73: {  	_ =	swait.ge [sflag:s16], $0x80  }
0x74: {  	[sflag:s16] =	ssyncset.done $0x0  }
0x75: {  	[sflag:s16] =	ssyncadd.s32 $0xFFFFFF80  }
0x76: {  	_ =	swait.ge [sflag:s22], $0x4000  }
0x77: {  	[sflag:s22] =	ssyncset.done $0x0  }
0x78: {  	[sflag:s22] =	ssyncadd.s32 $0xFFFFC000  }
0x79: {  	[spmem:s1] =	stream.indirect.scatter.add.f32 [tilespmem:s19], [sflag:$0x3], $0x80, s18, s18, $0xb8;
	[tilespmem:$0x1C700] =	vst v63  }
0x7a: {  	_ =	swait.ge [sflag:s16], $0x4000  }
0x7b: {  	[sflag:s16] =	ssyncset.done $0x0  }
0x7c: {  	[sflag:s16] =	ssyncadd.s32 $0xFFFFC000  }
0x7d: {  	_ =	swait.ge [sflag:s23], $0x4000  }
0x7e: {  	[sflag:s23] =	ssyncset.done $0x0  }
0x7f: {  	[sflag:s23] =	ssyncadd.s32 $0xFFFFC000  }
0x80: {  	[spmem:s1] =	stream.indirect.scatter.add.f32 [tilespmem:s20], [sflag:$0x3], $0x80, s21, s18, $0xb8;
	[tilespmem:$0x1C700] =	vst v63  }
0x81: {  	_ =	swait.ge [sflag:s16], $0x4000  }
0x82: {  	[sflag:s16] =	ssyncset.done $0x0  }
0x83: {  	[sflag:s16] =	ssyncadd.s32 $0xFFFFC000  }
0x84: {  	[tilespmem:s24], [sflag:$0x3] =	stream.linear.gather [hbm4b:s7+s3], $0x10, $0x38;
	[tilespmem:$0x1C700] =	vst v63  }
0x85: {  	_ =	swait.ge [sflag:s16], $0x10  }
0x86: {  	[sflag:s16] =	ssyncset.done $0x0  }
0x87: {  	[sflag:s16] =	ssyncadd.s32 $0xFFFFFFF0  }
0x88: {  	[tilespmem:s25], [sflag:$0x3] =	stream.linear.gather [hbm4b:s8+s3], $0x10, $0x38;
	[tilespmem:$0x1C700] =	vst v63  }
0x89: {  	_ =	swait.ge [sflag:s16], $0x10  }
0x8a: {  	[sflag:s16] =	ssyncset.done $0x0  }
0x8b: {  	[sflag:s16] =	ssyncadd.s32 $0xFFFFFFF0  }
0x8c: {  	[tilespmem:s28], [sflag:$0x1] =	stream.indirect.gather [hbm4b:s4+s26], $0x80, s24, s26, $0xb8;
	[tilespmem:$0x1C700] =	vst v63  }
0x8d: {  	_ =	swait.ge [sflag:s22], $0x800  }
0x8e: {  	[sflag:s22] =	ssyncset.done $0x0  }
0x8f: {  	[sflag:s22] =	ssyncadd.s32 $0xFFFFF800  }
0x90: {  	[spmem:s1] =	stream.indirect.scatter.add.f32 [tilespmem:s28], [sflag:$0x3], $0x80, s25, s26, $0xb8;
	[tilespmem:$0x1C700] =	vst v63  }
0x91: {  	_ =	swait.ge [sflag:s16], $0x800  }
0x92: {  	s29 =	sadd.s32 $0x1, s29;
	[sflag:s16] =	ssyncset.done $0x0  }
0x93: {  	p0 =	sne.s32 s29, s10;
	[sflag:s16] =	ssyncadd.s32 $0xFFFFF800  }
.Ltmp1:
0x94: {  	[bflag:$0x0] =	sbarrier.arrive $0xFFFF;
	(pc) =	sbr.rel @p0 .LBB2_1-.Ltmp1, $4  }
0x95: {  	[hbm:s9], [sflag:s6] =	dma.local [spmem:s15], $0x2780  }
0x96: {  	_ =	swait.ge [sflag:s16], $0x2780  }
0x97: {  	[sflag:s16] =	ssyncset.done $0x0  }
0x98: {  	[sflag:s16] =	ssyncadd.s32 $0xFFFFD880  }
0x99: {  	_ =	sfence.sel $0x180000  }
0x9a: {  	[bflag:$0x0] =	sbarrier.arrive $0xFFFF  }
0x9b: {  	_ =	strace $0x9000004D  }
0x9c: {  	s0 =	stileid.u32;
	[bflag:$0x2] =	sbarrier.arrive $0xFFFF  }
0x9d: {  	p0 =	sne.s32 s0, $0x0;
	s0 =	rddreg [dreg:$0x4]  }
0x9e: {  	s0 =	sadd.s32 @!p0 $0x100000, s0  }
0x9f: {  	[sflag:s0] =	ssyncadd.tile.s32 @!p0 $0x1;
	_ =	shalt  }
.Lfunc_end2:
_tile_overlayer_lowered:
.L_overlay_start_2:
0xa0: {  	(tag) =	ssettag $0x2  }
0xa1: {  	s0 =	rddreg [dreg:$0x0];
	s2 =	stileid.u32  }
0xa2: {  	s1 =	rddreg [dreg:$0x1];
	p0 =	sne.s32 s2, $0x0  }
0xa3: {  	s3 =	rddreg [dreg:$0x2];
	[bflag:$0x3] =	sbarrier.arrive $0xFFFF;
	s2 =	simm.s32 @!p0 $0x1C03  }
0xa4: {  	[timem:s3], [sflag:s2] =	dma.local @!p0 [hbm:s0], s1  }
0xa5: {  	s0 =	simm.s32 @!p0 $0x3  }
0xa6: {  	_ =	swait.ge @!p0 [sflag:s0], s1  }
0xa7: {  	s1 =	ssub.s32 @!p0 $0x0, s1;
	[sflag:s0] =	ssyncset.done @!p0 $0x0  }
0xa8: {  	[sflag:s0] =	ssyncadd.s32 @!p0 s1  }
0xa9: {  	[bflag:$0x3] =	sbarrier.arrive $0xFFFF  }
0xaa: {  	_ =	shalt  }

// kernel: kernel.19.cloned.1.call-start
scs
__scs_entry_jumppad:
0x0: {  	(pc) =	sbr.rel $0x88, $3  }
0x1: {  	(tag) =	ssettag $0x0;
	lr =	simm.s32 $0x1  }
0x2: {  	[smem:$0x3F97] =	sst lr;
	_ =	strace $0xD0000000  }
0x3: {  	_ = 	snop  }
0x4: {  	_ = 	snop  }
0x5: {  	_ = 	snop  }
0x6: {  	_ = 	snop  }
0x7: {  	_ = 	snop  }
__scs_overlays_trampoline_lowered:
0x8: {  	[smem:$0x3FA6] =	sst s0  }
0x9: {  	[smem:$0x3FA7] =	sst s1  }
0xa: {  	[smem:$0x3FA8] =	sst s2  }
0xb: {  	[smem:$0x3FA9] =	sst s3  }
0xc: {  	[smem:$0x3FAA] =	sst s4  }
0xd: {  	[smem:$0x3FAB] =	sst s5  }
0xe: {  	[smem:$0x3FAC] =	sst s6  }
0xf: {  	[smem:$0x3FAD] =	sst s7  }
0x10: {  	[smem:$0x3FAE] =	sst s8  }
0x11: {  	[smem:$0x3FAF] =	sst s9;
	s0 =	simm.s32 @!p0 $0x0  }
0x12: {  	s1 =	sld [smem:$0x3F95];
	s0 =	simm.s32 @p0 $0x1  }
0x13: {  	[smem:$0x3FB0] =	sst s0;
	s0 =	simm.s32 @!p1 $0x0  }
0x14: {  	s2 =	sld [smem:$0x3F94];
	s0 =	simm.s32 @p1 $0x1  }
0x15: {  	[smem:$0x3FB1] =	sst s0;
	s0 =	simm.s32 @!p2 $0x0  }
0x16: {  	s3 =	sld [smem:$0x3FDB];
	s0 =	simm.s32 @p2 $0x1  }
0x17: {  	s4 =	simm.s32 $0x1BF5;
	[smem:$0x3FB3] =	sst s0  }
0x18: {  	s0 =	sld [smem:$0x3F96];
	_ =	swait.ge [sflag:s4], $0x0  }
0x19: {  	s7 =	sld [smem:$0x3F97]  }
0x1a: {  	s8 =	sadd.s32 $0xFFFFE003, lr  }
0x1b: {  	s9 =	sadd.s32 $0xFFFFFEF7, lr;
	s5 =	simm.s32 $0xFFFFFFFF;
	p2 =	slt.u32 s8, $0xFFFFF086  }
0x1c: {  	p1 =	slt.u32 s9, $0xF7A;
	s5 =	simm.s32 @!p2 $0x0  }
0x1d: {  	s5 =	simm.s32 @p1 $0x1;
	p0 =	seq.s32 s7, s2  }
0x1e: {  	s7 =	smul.u32 @!p0 $0xF7A, s2;
	p2 =	seq.s32 @!p0 s5, $0x0  }
0x1f: {  	s9 =	smul.u32 $0xF7A, s1;
	s8 =	simm.s32 @!p0 $0x1BF5;
	p2 =	por !p2, p0  }
0x20: {  	[sflag:s8] =	ssyncset.s32 @!p0 $0xFFFFF086;
	s6 =	sadd.s32 @!p0 s3, s7;
	s7 =	simm.s32 @!p0 $0x108  }
0x21: {  	s3 =	sadd.s32 s3, s9;
	s6 =	sadd.s32 @!p0 $0x88, s6;
	s7 =	simm.s32 @p2 $0x1082  }
0x22: {  	[simem:s7], [sflag:s8] =	dma.local @!p0 [hbm:s6], $0xF7A  }
0x23: {  	s9 =	sor.u32 $0xD0000000, s2;
	s6 =	simm.s32 $0x108;
	_ =	swait.ge @!p0 [sflag:s8], $0x0  }
0x24: {  	s3 =	sadd.s32 $0x88, s3;
	s6 =	simm.s32 @!p1 $0x1082;
	[sflag:s4] =	ssyncset.s32 $0xFFFFF086  }
0x25: {  	[simem:s6], [sflag:s4] =	dma.local [hbm:s3], $0xF7A  }
0x26: {  	[smem:$0x3F97] =	sst s1;
	(tag) =	ssettag s2;
	_ =	strace s9  }
0x27: {  	s1 =	sld [smem:$0x3FA7]  }
0x28: {  	s2 =	sld [smem:$0x3FA8]  }
0x29: {  	s4 =	sld [smem:$0x3FAA]  }
0x2a: {  	p0 =	seq.s32 s5, $0x0;
	s5 =	sld [smem:$0x3FAB]  }
0x2b: {  	s6 =	sld [smem:$0x3FAC]  }
0x2c: {  	s7 =	sld [smem:$0x3FAD]  }
0x2d: {  	s3 =	simm.s32 $0x108;
	s8 =	sld [smem:$0x3FAE]  }
0x2e: {  	s3 =	simm.s32 @!p0 $0x1082;
	s9 =	sld [smem:$0x3FAF]  }
0x2f: {  	lr =	sadd.s32 s0, s3;
	s0 =	sld [smem:$0x3FA6]  }
0x30: {  	s3 =	sld [smem:$0x3FA9]  }
0x31: {  	[smem:$0x3FB2] =	sst s10  }
0x32: {  	s10 =	sld [smem:$0x3FB0];
	_ =	sdelay $0x3  }
0x33: {  	p0 =	seq.s32 s10, $0x1;
	s10 =	sld [smem:$0x3FB2];
	_ =	sdelay $0x3  }
0x34: {  	[smem:$0x3FB2] =	sst s10  }
0x35: {  	s10 =	sld [smem:$0x3FB1];
	_ =	sdelay $0x3  }
0x36: {  	p1 =	seq.s32 s10, $0x1;
	s10 =	sld [smem:$0x3FB2];
	_ =	sdelay $0x3  }
0x37: {  	[smem:$0x3FB2] =	sst s10  }
0x38: {  	s10 =	sld [smem:$0x3FB3]  }
0x39: {  	_ = 	snop;
	(pc) =	sbr.ind lr, $3  }
0x3a: {  	_ = 	snop  }
0x3b: {  	_ = 	snop  }
0x3c: {  	p2 =	seq.s32 s10, $0x1;
	s10 =	sld [smem:$0x3FB2]  }
0x3d: {  	_ =	shalt  }
0x3e: {  	_ =	shalt  }
0x3f: {  	_ =	shalt  }
0x40: {  	_ =	shalt  }
0x41: {  	_ =	shalt  }
0x42: {  	_ =	shalt  }
0x43: {  	_ =	shalt  }
0x44: {  	_ =	shalt  }
0x45: {  	_ =	shalt  }
0x46: {  	_ =	shalt  }
0x47: {  	_ =	shalt  }
0x48: {  	_ =	shalt  }
0x49: {  	_ =	shalt  }
0x4a: {  	_ =	shalt  }
0x4b: {  	_ =	shalt  }
0x4c: {  	_ =	shalt  }
0x4d: {  	_ =	shalt  }
0x4e: {  	_ =	shalt  }
0x4f: {  	_ =	shalt  }
0x50: {  	_ =	shalt  }
0x51: {  	_ =	shalt  }
0x52: {  	_ =	shalt  }
0x53: {  	_ =	shalt  }
0x54: {  	_ =	shalt  }
0x55: {  	_ =	shalt  }
0x56: {  	_ =	shalt  }
0x57: {  	_ =	shalt  }
0x58: {  	_ =	shalt  }
0x59: {  	_ =	shalt  }
0x5a: {  	_ =	shalt  }
0x5b: {  	_ =	shalt  }
0x5c: {  	_ =	shalt  }
0x5d: {  	_ =	shalt  }
0x5e: {  	_ =	shalt  }
0x5f: {  	_ =	shalt  }
0x60: {  	_ =	shalt  }
0x61: {  	_ =	shalt  }
0x62: {  	_ =	shalt  }
0x63: {  	_ =	shalt  }
0x64: {  	_ =	shalt  }
0x65: {  	_ =	shalt  }
0x66: {  	_ =	shalt  }
0x67: {  	_ =	shalt  }
0x68: {  	_ =	shalt  }
0x69: {  	_ =	shalt  }
0x6a: {  	_ =	shalt  }
0x6b: {  	_ =	shalt  }
0x6c: {  	_ =	shalt  }
0x6d: {  	_ =	shalt  }
0x6e: {  	_ =	shalt  }
0x6f: {  	_ =	shalt  }
0x70: {  	_ =	shalt  }
0x71: {  	_ =	shalt  }
0x72: {  	_ =	shalt  }
0x73: {  	_ =	shalt  }
0x74: {  	_ =	shalt  }
0x75: {  	_ =	shalt  }
0x76: {  	_ =	shalt  }
0x77: {  	_ =	shalt  }
0x78: {  	_ =	shalt  }
0x79: {  	_ =	shalt  }
0x7a: {  	_ =	shalt  }
0x7b: {  	_ =	shalt  }
0x7c: {  	_ =	shalt  }
0x7d: {  	_ =	shalt  }
0x7e: {  	_ =	shalt  }
0x7f: {  	_ =	shalt  }
0x80: {  	_ =	shalt  }
0x81: {  	_ =	shalt  }
0x82: {  	_ =	shalt  }
0x83: {  	_ =	shalt  }
0x84: {  	_ =	shalt  }
0x85: {  	_ =	shalt  }
0x86: {  	_ =	shalt  }
0x87: {  	_ =	shalt  }
.Lfunc_end0:
.L_simem_size_0:
called_computation.3_lowered:
.L_overlay_start_0:
0x88: {  	s2 =	sld [smem:$0x3FD9]  }
0x89: {  	s3 =	sld [smem:$0x3FFE];
	_ =	sdelay $0x1  }
0x8a: {  	s1 =	srdreg.scid  }
0x8b: {  	s0 =	sand.u32 $0x1, s1  }
0x8c: {  	s14 =	sshll.u32 s0, $0xA;
	s2 =	sadd.s32 s3, s2  }
0x8d: {  	s2 =	sadd.s32 s2, s14  }
0x8e: {  	[smem:$0x3FBE] =	sst s2  }
0x8f: {  	_ = 	snop  }
0x90: {  	s2 =	sld [smem:$0x3FD0];
	_ =	sdelay $0x2  }
0x91: {  	s15 =	simm.s32 $0xA;
	s4 =	simm.s32 $0x10  }
0x92: {  	[smem:s4], [sflag:s15] =	dma.local [hbm:s2], $0x1  }
0x93: {  	_ =	swait.eq [sflag:s15], $0x1  }
0x94: {  	[sflag:s15] =	ssyncset.done $0x0  }
0x95: {  	s16 =	sld [smem:$0x10];
	[sflag:s15] =	ssyncadd.s32 $0xFFFFFFFF  }
0x96: {  	s17 =	sld [smem:$0x11];
	(tm) =	ssettm $0x1  }
0x97: {  	s18 =	sld [smem:$0x3FFB];
	_ =	sdelay $0x3  }
0x98: {  	_ =	strace s18  }
0x99: {  	s4 =	sld [smem:$0x3FFC];
	_ =	sdelay $0x3  }
0x9a: {  	_ =	strace s4  }
0x9b: {  	s4 =	sld [smem:$0x3FFD];
	_ =	sdelay $0x3  }
0x9c: {  	_ =	strace s4  }
0x9d: {  	_ =	strace $0x8FFFFFFF  }
0x9e: {  	s19 =	sld [smem:$0x3FDB];
	_ =	sdelay $0x1  }
0x9f: {  	s5 =	simm.s32 $_scs_section_size  }
0xa0: {  	s6 =	simm.s32 $_size__tile_overlayer_lowered;
	s7 =	simm.s32 $_tile_overlayer_lowered  }
0xa1: {  	s22 =	simm.s32 $0x1BFF;
	s21 =	sshll.u32 s7, $0x1;
	s4 =	sadd.s32 s5, s19  }
0xa2: {  	s8 =	simm.s32 $0x0;
	s20 =	sshll.u32 s6, $0x1;
	s6 =	sadd.s32 s21, s4  }
0xa3: {  	[timem:s8], [sflag:s22] =	dma.local [hbm:s6], s20  }
0xa4: {  	_ =	swait.ge [sflag:s22], s20  }
0xa5: {  	s5 =	ssub.s32 $0x0, s20;
	[sflag:s22] =	ssyncset.done $0x0  }
0xa6: {  	[sflag:s22] =	ssyncadd.s32 s5;
	_ =	sdelay $0x1  }
0xa7: {  	s23 =	simm.s32 $0x1B8B  }
0xa8: {  	_ =	swait.ge [sflag:s23], $0x1  }
0xa9: {  	[sflag:s23] =	ssyncset.done $0x0  }
0xaa: {  	s25 =	simm.s32 $0x1B8E;
	s24 =	sld [smem:$0x3FFE];
	[sflag:s23] =	ssyncadd.s32 $0xFFFFFFFF  }
0xab: {  	s26 =	simm.s32 $execute0_lowered;
	[smem:$0x3FD2] =	sst s25  }
0xac: {  	s6 =	sshll.u32 s26, $0x1;
	_ =	strace $0x8000004F;
	[dreg:$0x1] =	wrdreg $0xFFFFFFFF  }
0xad: {  	s28 =	simm.s32 $_size_execute0_lowered;
	s4 =	sadd.s32 s4, s6;
	[dreg:$0x0] =	wrdreg $0x0  }
0xae: {  	s6 =	sshll.u32 s28, $0x1;
	[dreg:$0x2] =	wrdreg s4  }
0xaf: {  	[dreg:$0x3] =	wrdreg s6  }
0xb0: {  	[dreg:$0x4] =	wrdreg $0xC0  }
0xb1: {  	_ =	task [dreg:s8], $0x5FFFF  }
0xb2: {  	[dreg:$0x1] =	wrdreg $0xFFFFFFFF  }
0xb3: {  	[dreg:$0x0] =	wrdreg $0x60  }
0xb4: {  	[dreg:$0x2] =	wrdreg s24  }
0xb5: {  	[dreg:$0x3] =	wrdreg s16  }
0xb6: {  	[dreg:$0x4] =	wrdreg s17  }
0xb7: {  	[dreg:$0x5] =	wrdreg $0x8B000  }
0xb8: {  	[dreg:$0x6] =	wrdreg $0x9  }
0xb9: {  	_ =	task.clear_ibuf [dreg:s8], $0x7FFFF;
	_ =	strace $0x9000004F  }
0xba: {  	s29 =	simm.s32 $0x9;
	_ =	strace $0x80000051  }
0xbb: {  	_ =	swait.ge [sflag:s29], $0x1  }
0xbc: {  	[sflag:s29] =	ssyncadd.s32 $0xFFFFFFFF  }
0xbd: {  	_ =	strace $0x90000051  }
0xbe: {  	_ =	sfence  }
0xbf: {  	s30 =	sld [smem:$0x0];
	_ =	sdelay $0x2  }
0xc0: {  	s31 =	sshll.u32 s1, $0xD;
	s1 =	sshrl.u32 s1, $0x2  }
0xc1: {  	s3 =	sand.u32 $0x4000, s31;
	s1 =	sadd.s32 s1, s30  }
0xc2: {  	s0 =	sor.u32 s3, s0;
	s1 =	sshll.u32 s1, $0x11  }
0xc3: {  	s0 =	sor.u32 s1, s0  }
0xc4: {  	s0 =	sadd.s32 $0x8F2B, s0  }
0xc5: {  	[sflag:s0] =	ssyncadd.remote.s32 $0x1  }
0xc6: {  	_ =	sfence.sel $0xFFFF  }
0xc7: {  	[dreg:$0x0] =	wrdreg $0xFFFFFFFF;
	(pc) =	sbr.abs _section_cstart, $3  }
0xc8: {  	[dreg:$0x1] =	wrdreg $0xFFFFFFFF  }
0xc9: {  	_ =	task.clear_ibuf [dreg:s8], $0x2FFFF;
	_ =	strace $0x9FFFFFFF  }
0xca: {  	(tm) =	ssettm $0x7FFFFFFF  }
0xcb: {  	_ =	shalt  }
tec
execute0_lowered:
.L_overlay_start_1:
0x0: {  	(tag) =	ssettag $0x1  }
0x1: {  	s0 =	rddreg [dreg:$0x0]  }
0x2: {  	s14 =	rddreg [dreg:$0x1]  }
0x3: {  	s9 =	rddreg [dreg:$0x2]  }
0x4: {  	s1 =	rddreg [dreg:$0x3];
	s2 =	srdreg.scid  }
0x5: {  	s3 =	simm.s32 $0x0;
	s20 =	stileid.u32;
	s17 =	simm.s32 $0x100  }
0x6: {  	s18 =	simm.s32 $0x80;
	s19 =	simm.s32 $0x300;
	s28 =	simm.s32 $0x8300  }
0x7: {  	s29 =	simm.s32 $0x0;
	s6 =	sand.u32 $0x1, s2;
	s7 =	smul.u32 $0x4F000, s20  }
0x8: {  	[smem:$0x7FF] =	sst s3;
	s13 =	sadd.s32 $0x3800, s0;
	s12 =	smul.u32 $0x13C00, s20  }
0x9: {  	s23 =	sshll.u32 s20, $0x6;
	s25 =	smul.u32 $0x2710, s20;
	s4 =	sshll.u32 s6, $0x4  }
0xa: {  	_ =	strace $0x80000050;
	s21 =	ssub.s32 $0x2, s6;
	s10 =	smul.u32 $0x13C000, s6  }
0xb: {  	s22 =	smul.u32 $0x27100, s6;
	s6 =	sor.u32 $0x1C03, s23;
	s23 =	simm.s32 $0x2  }
0xc: {  	s5 =	sor.u32 s20, s4;
	s4 =	sadd.s32 $0xD600, s0;
	s0 =	sadd.s32 $0x5BA00, s0  }
0xd: {  	s11 =	sshrl.u32 s21, $0x1;
	s7 =	sshrl.u32 s7, $0x2;
	s20 =	simm.s32 $0x4300  }
0xe: {  	s8 =	smul.u32 $0x2710, s5;
	[dreg:$0x5] =	wrdreg s0;
	s0 =	ssub.s32 s21, s11  }
0xf: {  	s15 =	sadd.s32 s7, s1;
	s10 =	sadd.s32 s12, s10;
	s11 =	sadd.s32 s25, s22  }
0x10: {  	s21 =	simm.s32 $0x180;
	s22 =	simm.s32 $0x1;
	s25 =	simm.s32 $0x280  }
0x11: {  	s10 =	sshrl.u32 s10, $0x3;
	s26 =	sadd.s32 $0x80, s11;
	s31 =	sshrl.u32 s11, $0x3  }
0x12: {  	s15 =	sshrl.u32 s15, $0x3;
	s24 =	sshrl.u32 s8, $0x3;
	s9 =	sadd.s32 s9, s10  }
0x13: {  	s10 =	smax.u32 s0, $0x1;
	s30 =	sshrl.u32 s26, $0x3;
	s26 =	simm.s32 $0x10  }
0x14: {  	s16 =	sadd.s32 $0x4E0, s24;
	s11 =	sadd.s32 s30, s13;
	s12 =	sadd.s32 s30, s14  }
0x15: {  	s24 =	simm.s32 $0x200;
	s7 =	sadd.s32 s14, s16;
	s8 =	sadd.s32 s13, s16  }
0x16: {  	s13 =	sadd.s32 s31, s13;
	s14 =	sadd.s32 s31, s14;
	s16 =	simm.s32 $0x3  }
.LBB2_1:
0x17: {  	s0 =	rddreg [dreg:$0x5]  }
0x18: {  	[spmem:s15], [sflag:s6] =	dma.local [hbm:s0], $0x2780  }
0x19: {  	_ =	swait.ge [sflag:s16], $0x2780  }
0x1a: {  	[sflag:s16] =	ssyncset.done $0x0  }
0x1b: {  	[sflag:s16] =	ssyncadd.s32 $0xFFFFD880  }
0x1c: {  	s2 =	sadd.s32 $0x0, s14;
	[bflag:$0x0] =	sbarrier.arrive $0xFFFF  }
0x1d: {  	[tilespmem:s3], [sflag:$0x3] =	stream.linear.gather [hbm4b:s2+s3], $0x80, $0x38;
	[tilespmem:$0x1C700] =	vst v63  }
0x1e: {  	_ =	swait.ge [sflag:s16], $0x80  }
0x1f: {  	[sflag:s16] =	ssyncset.done $0x0  }
0x20: {  	s5 =	sadd.s32 $0x0, s12;
	[sflag:s16] =	ssyncadd.s32 $0xFFFFFF80  }
0x21: {  	[tilespmem:s17], [sflag:$0x3] =	stream.linear.gather [hbm4b:s5+s3], $0x80, $0x38;
	[tilespmem:$0x1C700] =	vst v63  }
0x22: {  	_ =	swait.ge [sflag:s16], $0x80  }
0x23: {  	[sflag:s16] =	ssyncset.done $0x0  }
0x24: {  	[sflag:s16] =	ssyncadd.s32 $0xFFFFFF80  }
0x25: {  	[tilespmem:s19], [sflag:$0x1] =	stream.indirect.gather [hbm4b:s4+s18], $0x80, s3, s18, $0xb8;
	[tilespmem:$0x1C700] =	vst v63  }
0x26: {  	_ = 	snop  }
0x27: {  	[tilespmem:s20], [sflag:$0x2] =	stream.indirect.gather [hbm4b:s4+s18], $0x80, s17, s18, $0xb8;
	[tilespmem:$0x1C700] =	vst v63  }
0x28: {  	s2 =	sadd.s32 $0x0, s13  }
0x29: {  	[tilespmem:s18], [sflag:$0x3] =	stream.linear.gather [hbm4b:s2+s3], $0x80, $0x38;
	[tilespmem:$0x1C700] =	vst v63  }
0x2a: {  	_ =	swait.ge [sflag:s16], $0x80  }
0x2b: {  	[sflag:s16] =	ssyncset.done $0x0  }
0x2c: {  	s5 =	sadd.s32 $0x0, s11;
	[sflag:s16] =	ssyncadd.s32 $0xFFFFFF80  }
0x2d: {  	[tilespmem:s21], [sflag:$0x3] =	stream.linear.gather [hbm4b:s5+s3], $0x80, $0x38;
	[tilespmem:$0x1C700] =	vst v63  }
0x2e: {  	_ =	swait.ge [sflag:s16], $0x80  }
0x2f: {  	[sflag:s16] =	ssyncset.done $0x0  }
0x30: {  	[sflag:s16] =	ssyncadd.s32 $0xFFFFFF80  }
0x31: {  	_ =	swait.ge [sflag:s22], $0x4000  }
0x32: {  	[sflag:s22] =	ssyncset.done $0x0  }
0x33: {  	[sflag:s22] =	ssyncadd.s32 $0xFFFFC000  }
0x34: {  	[spmem:s1] =	stream.indirect.scatter.add.f32 [tilespmem:s19], [sflag:$0x3], $0x80, s18, s18, $0xb8;
	[tilespmem:$0x1C700] =	vst v63  }
0x35: {  	_ =	swait.ge [sflag:s16], $0x4000  }
0x36: {  	[sflag:s16] =	ssyncset.done $0x0  }
0x37: {  	[sflag:s16] =	ssyncadd.s32 $0xFFFFC000  }
0x38: {  	_ =	swait.ge [sflag:s23], $0x4000  }
0x39: {  	[sflag:s23] =	ssyncset.done $0x0  }
0x3a: {  	[sflag:s23] =	ssyncadd.s32 $0xFFFFC000  }
0x3b: {  	[spmem:s1] =	stream.indirect.scatter.add.f32 [tilespmem:s20], [sflag:$0x3], $0x80, s21, s18, $0xb8;
	[tilespmem:$0x1C700] =	vst v63  }
0x3c: {  	_ =	swait.ge [sflag:s16], $0x4000  }
0x3d: {  	s30 =	simm.s32 $0x20;
	s31 =	simm.s32 $0x40;
	[sflag:s16] =	ssyncset.done $0x0  }
.LBB2_2:
0x3e: {  	s2 =	sadd.s32 s30, s14  }
0x3f: {  	[sflag:s16] =	ssyncadd.s32 $0xFFFFC000;
	s5 =	smov.u32 s31;
	s0 =	sadd.s32 $0x20, s31  }
0x40: {  	[tilespmem:s3], [sflag:$0x3] =	stream.linear.gather [hbm4b:s2+s3], $0x80, $0x38;
	[tilespmem:$0x1C700] =	vst v63  }
0x41: {  	p0 =	sne.s32 s31, $0x4C0;
	_ =	swait.ge [sflag:s16], $0x80  }
0x42: {  	[sflag:s16] =	ssyncset.done $0x0  }
0x43: {  	s2 =	sadd.s32 s30, s12;
	[sflag:s16] =	ssyncadd.s32 $0xFFFFFF80  }
0x44: {  	[tilespmem:s17], [sflag:$0x3] =	stream.linear.gather [hbm4b:s2+s3], $0x80, $0x38;
	[tilespmem:$0x1C700] =	vst v63  }
0x45: {  	_ =	swait.ge [sflag:s16], $0x80  }
0x46: {  	[sflag:s16] =	ssyncset.done $0x0  }
0x47: {  	[sflag:s16] =	ssyncadd.s32 $0xFFFFFF80  }
0x48: {  	[tilespmem:s19], [sflag:$0x1] =	stream.indirect.gather [hbm4b:s4+s18], $0x80, s3, s18, $0xb8;
	[tilespmem:$0x1C700] =	vst v63  }
0x49: {  	_ = 	snop  }
0x4a: {  	[tilespmem:s20], [sflag:$0x2] =	stream.indirect.gather [hbm4b:s4+s18], $0x80, s17, s18, $0xb8;
	[tilespmem:$0x1C700] =	vst v63  }
0x4b: {  	s2 =	sadd.s32 s30, s13  }
0x4c: {  	[tilespmem:s18], [sflag:$0x3] =	stream.linear.gather [hbm4b:s2+s3], $0x80, $0x38;
	[tilespmem:$0x1C700] =	vst v63  }
0x4d: {  	_ =	swait.ge [sflag:s16], $0x80  }
0x4e: {  	[sflag:s16] =	ssyncset.done $0x0  }
0x4f: {  	s2 =	sadd.s32 s30, s11;
	s30 =	smov.u32 s5;
	[sflag:s16] =	ssyncadd.s32 $0xFFFFFF80  }
0x50: {  	[tilespmem:s21], [sflag:$0x3] =	stream.linear.gather [hbm4b:s2+s3], $0x80, $0x38;
	[tilespmem:$0x1C700] =	vst v63  }
0x51: {  	_ =	swait.ge [sflag:s16], $0x80  }
0x52: {  	[sflag:s16] =	ssyncset.done $0x0  }
0x53: {  	[sflag:s16] =	ssyncadd.s32 $0xFFFFFF80  }
0x54: {  	_ =	swait.ge [sflag:s22], $0x4000  }
0x55: {  	[sflag:s22] =	ssyncset.done $0x0  }
0x56: {  	[sflag:s22] =	ssyncadd.s32 $0xFFFFC000  }
0x57: {  	[spmem:s1] =	stream.indirect.scatter.add.f32 [tilespmem:s19], [sflag:$0x3], $0x80, s18, s18, $0xb8;
	[tilespmem:$0x1C700] =	vst v63  }
0x58: {  	_ =	swait.ge [sflag:s16], $0x4000  }
0x59: {  	[sflag:s16] =	ssyncset.done $0x0  }
0x5a: {  	[sflag:s16] =	ssyncadd.s32 $0xFFFFC000  }
0x5b: {  	_ =	swait.ge [sflag:s23], $0x4000  }
.Ltmp0:
0x5c: {  	[sflag:s23] =	ssyncset.done $0x0;
	(pc) =	sbr.rel @p0 .LBB2_2-.Ltmp0, $4  }
0x5d: {  	[sflag:s23] =	ssyncadd.s32 $0xFFFFC000  }
0x5e: {  	[spmem:s1] =	stream.indirect.scatter.add.f32 [tilespmem:s20], [sflag:$0x3], $0x80, s21, s18, $0xb8;
	[tilespmem:$0x1C700] =	vst v63  }
0x5f: {  	_ =	swait.ge [sflag:s16], $0x4000  }
0x60: {  	s31 =	smov.u32 s0;
	[sflag:s16] =	ssyncset.done $0x0  }
0x61: {  	s0 =	sadd.s32 s30, s14;
	[sflag:s16] =	ssyncadd.s32 $0xFFFFC000  }
0x62: {  	[tilespmem:s3], [sflag:$0x3] =	stream.linear.gather [hbm4b:s0+s3], $0x80, $0x38;
	[tilespmem:$0x1C700] =	vst v63  }
0x63: {  	_ =	swait.ge [sflag:s16], $0x80  }
0x64: {  	[sflag:s16] =	ssyncset.done $0x0  }
0x65: {  	s2 =	sadd.s32 s30, s12;
	[sflag:s16] =	ssyncadd.s32 $0xFFFFFF80  }
0x66: {  	[tilespmem:s17], [sflag:$0x3] =	stream.linear.gather [hbm4b:s2+s3], $0x80, $0x38;
	[tilespmem:$0x1C700] =	vst v63  }
0x67: {  	_ =	swait.ge [sflag:s16], $0x80  }
0x68: {  	[sflag:s16] =	ssyncset.done $0x0  }
0x69: {  	[sflag:s16] =	ssyncadd.s32 $0xFFFFFF80  }
0x6a: {  	[tilespmem:s19], [sflag:$0x1] =	stream.indirect.gather [hbm4b:s4+s18], $0x80, s3, s18, $0xb8;
	[tilespmem:$0x1C700] =	vst v63  }
0x6b: {  	_ = 	snop  }
0x6c: {  	[tilespmem:s20], [sflag:$0x2] =	stream.indirect.gather [hbm4b:s4+s18], $0x80, s17, s18, $0xb8;
	[tilespmem:$0x1C700] =	vst v63  }
0x6d: {  	s5 =	sadd.s32 s30, s13  }
0x6e: {  	[tilespmem:s18], [sflag:$0x3] =	stream.linear.gather [hbm4b:s5+s3], $0x80, $0x38;
	[tilespmem:$0x1C700] =	vst v63  }
0x6f: {  	_ =	swait.ge [sflag:s16], $0x80  }
0x70: {  	[sflag:s16] =	ssyncset.done $0x0  }
0x71: {  	s31 =	sadd.s32 s30, s11;
	[sflag:s16] =	ssyncadd.s32 $0xFFFFFF80  }
0x72: {  	[tilespmem:s21], [sflag:$0x3] =	stream.linear.gather [hbm4b:s31+s3], $0x80, $0x38;
	[tilespmem:$0x1C700] =	vst v63  }
0x73: {  	_ =	swait.ge [sflag:s16], $0x80  }
0x74: {  	[sflag:s16] =	ssyncset.done $0x0  }
0x75: {  	[sflag:s16] =	ssyncadd.s32 $0xFFFFFF80  }
0x76: {  	_ =	swait.ge [sflag:s22], $0x4000  }
0x77: {  	[sflag:s22] =	ssyncset.done $0x0  }
0x78: {  	[sflag:s22] =	ssyncadd.s32 $0xFFFFC000  }
0x79: {  	[spmem:s1] =	stream.indirect.scatter.add.f32 [tilespmem:s19], [sflag:$0x3], $0x80, s18, s18, $0xb8;
	[tilespmem:$0x1C700] =	vst v63  }
0x7a: {  	_ =	swait.ge [sflag:s16], $0x4000  }
0x7b: {  	[sflag:s16] =	ssyncset.done $0x0  }
0x7c: {  	[sflag:s16] =	ssyncadd.s32 $0xFFFFC000  }
0x7d: {  	_ =	swait.ge [sflag:s23], $0x4000  }
0x7e: {  	[sflag:s23] =	ssyncset.done $0x0  }
0x7f: {  	[sflag:s23] =	ssyncadd.s32 $0xFFFFC000  }
0x80: {  	[spmem:s1] =	stream.indirect.scatter.add.f32 [tilespmem:s20], [sflag:$0x3], $0x80, s21, s18, $0xb8;
	[tilespmem:$0x1C700] =	vst v63  }
0x81: {  	_ =	swait.ge [sflag:s16], $0x4000  }
0x82: {  	[sflag:s16] =	ssyncset.done $0x0  }
0x83: {  	[sflag:s16] =	ssyncadd.s32 $0xFFFFC000  }
0x84: {  	[tilespmem:s24], [sflag:$0x3] =	stream.linear.gather [hbm4b:s7+s3], $0x10, $0x38;
	[tilespmem:$0x1C700] =	vst v63  }
0x85: {  	_ =	swait.ge [sflag:s16], $0x10  }
0x86: {  	[sflag:s16] =	ssyncset.done $0x0  }
0x87: {  	[sflag:s16] =	ssyncadd.s32 $0xFFFFFFF0  }
0x88: {  	[tilespmem:s25], [sflag:$0x3] =	stream.linear.gather [hbm4b:s8+s3], $0x10, $0x38;
	[tilespmem:$0x1C700] =	vst v63  }
0x89: {  	_ =	swait.ge [sflag:s16], $0x10  }
0x8a: {  	[sflag:s16] =	ssyncset.done $0x0  }
0x8b: {  	[sflag:s16] =	ssyncadd.s32 $0xFFFFFFF0  }
0x8c: {  	[tilespmem:s28], [sflag:$0x1] =	stream.indirect.gather [hbm4b:s4+s26], $0x80, s24, s26, $0xb8;
	[tilespmem:$0x1C700] =	vst v63  }
0x8d: {  	_ =	swait.ge [sflag:s22], $0x800  }
0x8e: {  	[sflag:s22] =	ssyncset.done $0x0  }
0x8f: {  	[sflag:s22] =	ssyncadd.s32 $0xFFFFF800  }
0x90: {  	[spmem:s1] =	stream.indirect.scatter.add.f32 [tilespmem:s28], [sflag:$0x3], $0x80, s25, s26, $0xb8;
	[tilespmem:$0x1C700] =	vst v63  }
0x91: {  	_ =	swait.ge [sflag:s16], $0x800  }
0x92: {  	s29 =	sadd.s32 $0x1, s29;
	[sflag:s16] =	ssyncset.done $0x0  }
0x93: {  	p0 =	sne.s32 s29, s10;
	[sflag:s16] =	ssyncadd.s32 $0xFFFFF800  }
.Ltmp1:
0x94: {  	[bflag:$0x0] =	sbarrier.arrive $0xFFFF;
	(pc) =	sbr.rel @p0 .LBB2_1-.Ltmp1, $4  }
0x95: {  	[hbm:s9], [sflag:s6] =	dma.local [spmem:s15], $0x2780  }
0x96: {  	_ =	swait.ge [sflag:s16], $0x2780  }
0x97: {  	[sflag:s16] =	ssyncset.done $0x0  }
0x98: {  	[sflag:s16] =	ssyncadd.s32 $0xFFFFD880  }
0x99: {  	_ =	sfence.sel $0x180000  }
0x9a: {  	[bflag:$0x0] =	sbarrier.arrive $0xFFFF  }
0x9b: {  	_ =	strace $0x90000050  }
0x9c: {  	s0 =	stileid.u32;
	[bflag:$0x2] =	sbarrier.arrive $0xFFFF  }
0x9d: {  	p0 =	sne.s32 s0, $0x0;
	s0 =	rddreg [dreg:$0x4]  }
0x9e: {  	s0 =	sadd.s32 @!p0 $0x100000, s0  }
0x9f: {  	[sflag:s0] =	ssyncadd.tile.s32 @!p0 $0x1;
	_ =	shalt  }
.Lfunc_end2:
_tile_overlayer_lowered:
.L_overlay_start_2:
0xa0: {  	(tag) =	ssettag $0x2  }
0xa1: {  	s0 =	rddreg [dreg:$0x0];
	s2 =	stileid.u32  }
0xa2: {  	s1 =	rddreg [dreg:$0x1];
	p0 =	sne.s32 s2, $0x0  }
0xa3: {  	s3 =	rddreg [dreg:$0x2];
	[bflag:$0x3] =	sbarrier.arrive $0xFFFF;
	s2 =	simm.s32 @!p0 $0x1C03  }
0xa4: {  	[timem:s3], [sflag:s2] =	dma.local @!p0 [hbm:s0], s1  }
0xa5: {  	s0 =	simm.s32 @!p0 $0x3  }
0xa6: {  	_ =	swait.ge @!p0 [sflag:s0], s1  }
0xa7: {  	s1 =	ssub.s32 @!p0 $0x0, s1;
	[sflag:s0] =	ssyncset.done @!p0 $0x0  }
0xa8: {  	[sflag:s0] =	ssyncadd.s32 @!p0 s1  }
0xa9: {  	[bflag:$0x3] =	sbarrier.arrive $0xFFFF  }
0xaa: {  	_ =	shalt  }

</sc_bundles>
